<compile_context>
chip_gen: v7x
topology: tpu7x:2x2x1
jax: 0.10.2.dev20260603
libtpu: 0.0.44.dev20260713+nightly
codegen_flags: <defaults>
</compile_context>

<pallas_src>
import functools

import jax
import jax.numpy as jnp
from jax import lax
from jax.experimental import pallas as pl
from jax.experimental.pallas import tpu as pltpu
from jax.experimental.pallas import tpu_sc as plsc

N = 10000
C = 128
E = 320000
NUM_CAT = 64
NUM_SKU = 1024
LN_EPS = 1e-05

NSUB = 16
WIN = 128
CHUNK = 40
NWIN = 160
NCHUNK = NWIN // CHUNK
E_PAD = NSUB * NWIN * WIN
ACC_ROWS = 10240
ZBLK = ACC_ROWS // NSUB

BLK = 1000


def _sc_dual_segment_sum(xc, xp, s_cp, d_cp, s_pc, d_pc, zeros):
    mesh = plsc.VectorSubcoreMesh(core_axis_name="c", subcore_axis_name="s")
    out_t = (jax.ShapeDtypeStruct((ACC_ROWS, C), jnp.float32),
             jax.ShapeDtypeStruct((ACC_ROWS, C), jnp.float32))

    @functools.partial(
        pl.kernel,
        mesh=mesh,
        out_type=out_t,
        scratch_types=[
            pltpu.VMEM((CHUNK, WIN), jnp.int32),
            pltpu.VMEM((CHUNK, WIN), jnp.int32),
            pltpu.VMEM((WIN, C), jnp.float32),
            pltpu.VMEM((WIN, C), jnp.float32),
            pltpu.VMEM_SHARED((ACC_ROWS, C), jnp.float32),
            pltpu.SemaphoreType.DMA,
            pltpu.SemaphoreType.DMA,
        ],
    )
    def k(xc_hbm, xp_hbm, scp_hbm, dcp_hbm, spc_hbm, dpc_hbm, z_hbm,
          aggp_hbm, aggc_hbm, srcv, dstv, rows0, rows1, acc,
          gsem0, gsem1):
        cid = lax.axis_index("c")
        sid = lax.axis_index("s")

        pltpu.sync_copy(z_hbm, acc.at[pl.ds(sid * ZBLK, ZBLK)])
        plsc.subcore_barrier()

        def rel(x_hbm, s_hbm, d_hbm):
            def g_start(w, buf, sem):
                pltpu.async_copy(x_hbm.at[srcv.at[w]], buf, sem)

            def g_wait(w, buf, sem):
                pltpu.make_async_copy(x_hbm.at[srcv.at[w]], buf, sem).wait()

            def s_sync(w, buf):
                pltpu.sync_copy(buf, acc.at[dstv.at[w]], add=True)

            @pl.loop(0, NCHUNK)
            def _(ch):
                pltpu.sync_copy(s_hbm.at[sid, ch], srcv)
                pltpu.sync_copy(d_hbm.at[sid, ch], dstv)
                g_start(0, rows0, gsem0)

                @pl.loop(0, CHUNK - 2, step=2)
                def _(w):
                    g_start(w + 1, rows1, gsem1)
                    g_wait(w, rows0, gsem0)
                    s_sync(w, rows0)
                    g_start(w + 2, rows0, gsem0)
                    g_wait(w + 1, rows1, gsem1)
                    s_sync(w + 1, rows1)

                g_start(CHUNK - 1, rows1, gsem1)
                g_wait(CHUNK - 2, rows0, gsem0)
                s_sync(CHUNK - 2, rows0)
                g_wait(CHUNK - 1, rows1, gsem1)
                s_sync(CHUNK - 1, rows1)

        @pl.when(cid == 0)
        def _():
            rel(xc_hbm, scp_hbm, dcp_hbm)

        @pl.when(cid == 1)
        def _():
            rel(xp_hbm, spc_hbm, dpc_hbm)

        plsc.subcore_barrier()

        @pl.when(cid == 0)
        def _():
            pltpu.sync_copy(acc.at[pl.ds(sid * ZBLK, ZBLK)],
                            aggp_hbm.at[pl.ds(sid * ZBLK, ZBLK)])

        @pl.when(cid == 1)
        def _():
            pltpu.sync_copy(acc.at[pl.ds(sid * ZBLK, ZBLK)],
                            aggc_hbm.at[pl.ds(sid * ZBLK, ZBLK)])

    return k(xc, xp, s_cp, d_cp, s_pc, d_pc, zeros)


def _tc_init(x, W, b):
    def body(x_ref, w_ref, b_ref, o_ref):
        xv = x_ref[...]
        nrm = jnp.sqrt(jnp.sum(xv * xv, axis=1, keepdims=True))
        xn = xv / jnp.maximum(nrm, 1e-12)
        o_ref[...] = (jnp.dot(xn, w_ref[...], preferred_element_type=jnp.float32)
                      + b_ref[...])

    return pl.pallas_call(
        body,
        grid=(N // BLK,),
        in_specs=[pl.BlockSpec((BLK, C), lambda i: (i, 0)),
                  pl.BlockSpec((C, C), lambda i: (0, 0)),
                  pl.BlockSpec((1, C), lambda i: (0, 0))],
        out_specs=pl.BlockSpec((BLK, C), lambda i: (i, 0)),
        out_shape=jax.ShapeDtypeStruct((N, C), jnp.float32),
    )(x, W, b.reshape(1, C))


def _tc_gin(x, agg, eps, mlp, norm):
    W1, b1 = mlp[0]["W"], mlp[0]["b"]
    W2, b2 = mlp[1]["W"], mlp[1]["b"]
    g, bb = norm["g"], norm["b"]

    def body(x_ref, a_ref, e_ref, w1_ref, b1_ref, w2_ref, b2_ref,
             g_ref, gb_ref, o_ref):
        h = x_ref[...] * (1.0 + e_ref[...]) + a_ref[...]
        h = jnp.maximum(
            jnp.dot(h, w1_ref[...], preferred_element_type=jnp.float32)
            + b1_ref[...], 0.0)
        h = jnp.maximum(
            jnp.dot(h, w2_ref[...], preferred_element_type=jnp.float32)
            + b2_ref[...], 0.0)
        mu = jnp.mean(h, axis=1, keepdims=True)
        d = h - mu
        var = jnp.mean(d * d, axis=1, keepdims=True)
        h = d * lax.rsqrt(var + LN_EPS) * g_ref[...] + gb_ref[...]
        o_ref[...] = jnp.maximum(h, 0.0)

    return pl.pallas_call(
        body,
        grid=(N // BLK,),
        in_specs=[pl.BlockSpec((BLK, C), lambda i: (i, 0)),
                  pl.BlockSpec((BLK, C), lambda i: (i, 0)),
                  pl.BlockSpec((1, 1), lambda i: (0, 0)),
                  pl.BlockSpec((C, C), lambda i: (0, 0)),
                  pl.BlockSpec((1, C), lambda i: (0, 0)),
                  pl.BlockSpec((C, C), lambda i: (0, 0)),
                  pl.BlockSpec((1, C), lambda i: (0, 0)),
                  pl.BlockSpec((1, C), lambda i: (0, 0)),
                  pl.BlockSpec((1, C), lambda i: (0, 0))],
        out_specs=pl.BlockSpec((BLK, C), lambda i: (i, 0)),
        out_shape=jax.ShapeDtypeStruct((N, C), jnp.float32),
    )(x, agg, jnp.reshape(eps, (1, 1)), W1, b1.reshape(1, C),
      W2, b2.reshape(1, C), g.reshape(1, C), bb.reshape(1, C))


def _tc_heads(x, heads):
    cw1, cb1 = heads["churn"][0]["W"], heads["churn"][0]["b"]
    cw2, cb2 = heads["churn"][1]["W"], heads["churn"][1]["b"]
    aw1, ab1 = heads["cat"][0]["W"], heads["cat"][0]["b"]
    aw2, ab2 = heads["cat"][1]["W"], heads["cat"][1]["b"]
    sw1, sb1 = heads["sku"][0]["W"], heads["sku"][0]["b"]
    sw2, sb2 = heads["sku"][1]["W"], heads["sku"][1]["b"]

    def body(x_ref, cw1r, cb1r, cw2r, cb2r, aw1r, ab1r, aw2r, ab2r,
             sw1r, sb1r, sw2r, sb2r, churn_ref, cat_ref, sku_ref, ue_ref):
        xv = x_ref[...]
        nrm = jnp.sqrt(jnp.sum(xv * xv, axis=1, keepdims=True))
        u = xv / jnp.maximum(nrm, 1e-12)
        ue_ref[...] = u

        def head(w1, hb1, w2, hb2):
            h = jnp.maximum(
                jnp.dot(u, w1[...], preferred_element_type=jnp.float32)
                + hb1[...], 0.0)
            return jax.nn.sigmoid(
                jnp.dot(h, w2[...], preferred_element_type=jnp.float32)
                + hb2[...])

        churn_ref[...] = head(cw1r, cb1r, cw2r, cb2r)
        cat_ref[...] = head(aw1r, ab1r, aw2r, ab2r)
        sku_ref[...] = head(sw1r, sb1r, sw2r, sb2r)

    full = lambda arr: pl.BlockSpec(arr.shape, lambda i: (0,) * arr.ndim)
    args = (x, cw1, cb1.reshape(1, 128), cw2, cb2.reshape(1, 1),
            aw1, ab1.reshape(1, 128), aw2, ab2.reshape(1, NUM_CAT),
            sw1, sb1.reshape(1, 128), sw2, sb2.reshape(1, NUM_SKU))
    return pl.pallas_call(
        body,
        grid=(N // BLK,),
        in_specs=[pl.BlockSpec((BLK, C), lambda i: (i, 0))]
                 + [full(a) for a in args[1:]],
        out_specs=[pl.BlockSpec((BLK, 1), lambda i: (i, 0)),
                   pl.BlockSpec((BLK, NUM_CAT), lambda i: (i, 0)),
                   pl.BlockSpec((BLK, NUM_SKU), lambda i: (i, 0)),
                   pl.BlockSpec((BLK, C), lambda i: (i, 0))],
        out_shape=[jax.ShapeDtypeStruct((N, 1), jnp.float32),
                   jax.ShapeDtypeStruct((N, NUM_CAT), jnp.float32),
                   jax.ShapeDtypeStruct((N, NUM_SKU), jnp.float32),
                   jax.ShapeDtypeStruct((N, C), jnp.float32)],
    )(*args)


def _prep_edges(ei):
    src = ei[0].astype(jnp.int32)
    dst = ei[1].astype(jnp.int32)
    pad = E_PAD - E
    src = jnp.concatenate([src, jnp.zeros((pad,), jnp.int32)])
    dst = jnp.concatenate([dst, jnp.full((pad,), N, jnp.int32)])
    return (src.reshape(NSUB, NCHUNK, CHUNK, WIN),
            dst.reshape(NSUB, NCHUNK, CHUNK, WIN))


def kernel(x_client, x_product, edge_index_cp, edge_index_pc, params):
    p = params
    xc = _tc_init(x_client, p["lin_init"]["client"]["W"],
                  p["lin_init"]["client"]["b"])
    xp = _tc_init(x_product, p["lin_init"]["product"]["W"],
                  p["lin_init"]["product"]["b"])

    s_cp, d_cp = _prep_edges(edge_index_cp)
    s_pc, d_pc = _prep_edges(edge_index_pc)
    zeros = jnp.zeros((ZBLK, C), jnp.float32)

    for l in range(len(p["gin"])):
        gp = p["gin"][l]
        nrm = p["norms"][l]
        agg_p, agg_c = _sc_dual_segment_sum(xc, xp, s_cp, d_cp, s_pc, d_pc,
                                            zeros)
        xp = _tc_gin(xp, agg_p, gp["cp"]["eps"], gp["cp"]["mlp"],
                     nrm["product"])
        xc = _tc_gin(xc, agg_c, gp["pc"]["eps"], gp["pc"]["mlp"],
                     nrm["client"])

    churn, cat, sku, ue = _tc_heads(xc, p["heads"])
    return (churn, cat, sku, ue)

# --- scband reference (transcript-rebuilt; emitter-appended) ---
"""Pipeline reference for scband-full-ginmodel-49976239456904 (READ-ONLY COPY).

The authoritative reference and input builder live on the scoring server;
editing this copy changes nothing except your own understanding.
"""

import jax, jax.numpy as jnp
import numpy as np

N = 10000
F_IN = 128
C = 128
E = 320000
NUM_CAT = 64
NUM_SKU = 1024
NUM_LAYERS = 2
EPS_GIN = 1e-05
LN_EPS = 1e-05


def _lin_params(k, fan_in, fan_out):
    kw, kb = jax.random.split(k)
    W = jax.random.normal(kw, (fan_in, fan_out), dtype=jnp.float32) * (1.0 / np.sqrt(fan_in))
    b = jnp.zeros((fan_out,), dtype=jnp.float32)
    return {"W": W, "b": b}


def setup_inputs(seed: int = 0):
    key = jax.random.key(seed)
    ks = jax.random.split(key, 40)
    x_client = jax.random.normal(ks[0], (N, F_IN), dtype=jnp.float32)
    x_product = jax.random.normal(ks[1], (N, F_IN), dtype=jnp.float32)
    edge_index_cp = jax.random.randint(ks[2], (2, E), 0, N)
    edge_index_pc = jax.random.randint(ks[3], (2, E), 0, N)
    params = {
        "lin_init": {
            "client": _lin_params(ks[4], F_IN, C),
            "product": _lin_params(ks[5], F_IN, C),
        },
        "gin": [],
        "norms": [],
        "heads": {
            "churn": [_lin_params(ks[6], C, 128), _lin_params(ks[7], 128, 1)],
            "cat": [_lin_params(ks[8], C, 128), _lin_params(ks[9], 128, NUM_CAT)],
            "sku": [_lin_params(ks[10], C, 128), _lin_params(ks[11], 128, NUM_SKU)],
        },
    }
    for l in range(NUM_LAYERS):
        layer = {}
        for i, et in enumerate(["cp", "pc"]):
            kk = jax.random.fold_in(ks[12], l * 10 + i)
            k0, k1 = jax.random.split(kk)
            layer[et] = {
                "eps": jnp.float32(EPS_GIN),
                "mlp": [_lin_params(k0, C, C), _lin_params(k1, C, C)],
            }
        params["gin"].append(layer)
        params["norms"].append({
            "client": {"g": jnp.ones((C,), dtype=jnp.float32), "b": jnp.zeros((C,), dtype=jnp.float32)},
            "product": {"g": jnp.ones((C,), dtype=jnp.float32), "b": jnp.zeros((C,), dtype=jnp.float32)},
        })
    return {
        "x_client": x_client,
        "x_product": x_product,
        "edge_index_cp": edge_index_cp,
        "edge_index_pc": edge_index_pc,
        "params": params,
    }


def _l2norm(x):
    n = jnp.linalg.norm(x, axis=-1, keepdims=True)
    return x / jnp.maximum(n, 1e-12)


def _mlp(mlp_params, x):
    # Sequential of (Linear, ReLU) pairs
    for lp in mlp_params:
        x = jax.nn.relu(x @ lp["W"] + lp["b"])
    return x


def _layer_norm(p, x):
    mu = jnp.mean(x, axis=-1, keepdims=True)
    var = jnp.var(x, axis=-1, keepdims=True)
    return (x - mu) / jnp.sqrt(var + LN_EPS) * p["g"] + p["b"]


def _head(hp, x):
    h = jax.nn.relu(x @ hp[0]["W"] + hp[0]["b"])
    return jax.nn.sigmoid(h @ hp[1]["W"] + hp[1]["b"])


def _forward(x_client, x_product, params, edge_index_cp, edge_index_pc):
    # initial L2 normalize then projection (LazyLinear)
    xc = _l2norm(x_client) @ params["lin_init"]["client"]["W"] + params["lin_init"]["client"]["b"]
    xp = _l2norm(x_product) @ params["lin_init"]["product"]["W"] + params["lin_init"]["product"]["b"]
    src_cp, dst_cp = edge_index_cp[0], edge_index_cp[1]
    src_pc, dst_pc = edge_index_pc[0], edge_index_pc[1]
    for l in range(NUM_LAYERS):
        gp = params["gin"][l]
        # GINConv client->product (dst = product): sum aggregation of src features
        agg_p = jax.ops.segment_sum(xc[src_cp], dst_cp, num_segments=N)
        # GINConv product->client (dst = client)
        agg_c = jax.ops.segment_sum(xp[src_pc], dst_pc, num_segments=N)
        new_p = _mlp(gp["cp"]["mlp"], (1.0 + gp["cp"]["eps"]) * xp + agg_p)
        new_c = _mlp(gp["pc"]["mlp"], (1.0 + gp["pc"]["eps"]) * xc + agg_c)
        nrm = params["norms"][l]
        xc = jax.nn.relu(_layer_norm(nrm["client"], new_c))
        xp = jax.nn.relu(_layer_norm(nrm["product"], new_p))
    user_emb = _l2norm(xc)
    churn = _head(params["heads"]["churn"], user_emb)
    cat = _head(params["heads"]["cat"], user_emb)
    sku = _head(params["heads"]["sku"], user_emb)
    return (churn, cat, sku, user_emb)


def reference(x_client, x_product, edge_index_cp, edge_index_pc, params):
    return _forward(x_client, x_product, params, edge_index_cp, edge_index_pc)

if __name__ == "__main__":
    import jax
    _d = setup_inputs()
    print(jax.jit(kernel)(*tuple(_d.values())))

</pallas_src>

<mosaic_0001>
#map = affine_map<(d0, d1) -> (0, 0)>
#map1 = affine_map<(d0, d1) -> (0, 0, 0, 0)>
module attributes {stable_mosaic.version = 14 : i64} {
  func.func @k(%arg0: i32, %arg1: i32, %arg2: memref<10000x128xf32, #tpu.memory_space<hbm>>, %arg3: memref<10000x128xf32, #tpu.memory_space<hbm>>, %arg4: memref<16x4x40x128xi32, #tpu.memory_space<hbm>>, %arg5: memref<16x4x40x128xi32, #tpu.memory_space<hbm>>, %arg6: memref<16x4x40x128xi32, #tpu.memory_space<hbm>>, %arg7: memref<16x4x40x128xi32, #tpu.memory_space<hbm>>, %arg8: memref<640x128xf32, #tpu.memory_space<hbm>>, %arg9: memref<10240x128xf32, #tpu.memory_space<hbm>>, %arg10: memref<10240x128xf32, #tpu.memory_space<hbm>>, %arg11: memref<40x128xi32, #tpu.memory_space<vmem>>, %arg12: memref<40x128xi32, #tpu.memory_space<vmem>>, %arg13: memref<128x128xf32, #tpu.memory_space<vmem>>, %arg14: memref<128x128xf32, #tpu.memory_space<vmem>>, %arg15: memref<10240x128xf32, #tpu.memory_space<vmem_shared>>, %arg16: memref<!tpu.dma_semaphore, #tpu.memory_space<semaphore_mem>>, %arg17: memref<!tpu.dma_semaphore, #tpu.memory_space<semaphore_mem>>) attributes {dimension_semantics = [#tpu.dimension_semantics<core_parallel>, #tpu.dimension_semantics<subcore_parallel>], iteration_bounds = array<i64: 2, 16>, scalar_prefetch = 0 : i64, scratch_operands = 7 : i64, tpu.core_type = #tpu.core_type<sc_vector_subcore>, window_params = [{transform_indices = #map}, {transform_indices = #map}, {transform_indices = #map1}, {transform_indices = #map1}, {transform_indices = #map1}, {transform_indices = #map1}, {transform_indices = #map}, {transform_indices = #map}, {transform_indices = #map}]} {
    %mul3A = arith.constant 640 : i32
    %mul3A_0 = arith.muli %arg1, %mul3A : i32
    "tpu.region"() ({
      %run_scoped3A = tpu.sem_alloc : memref<!tpu.dma_semaphore, #tpu.memory_space<semaphore_mem>>
      %dma_start3A = arith.constant 0 : i32
      %dma_start3A_19 = tpu.memref_slice %arg15[%mul3A_0, %dma_start3A] : memref<10240x128xf32, #tpu.memory_space<vmem_shared>> -> memref<640x128xf32, #tpu.memory_space<vmem_shared>>
      tpu.enqueue_dma source(%arg8 : memref<640x128xf32, #tpu.memory_space<hbm>>) target(%dma_start3A_19 : memref<640x128xf32, #tpu.memory_space<vmem_shared>>) target_semaphore(%run_scoped3A : memref<!tpu.dma_semaphore, #tpu.memory_space<semaphore_mem>>)
      %dma_wait3A = arith.constant 0 : i32
      %dma_wait3A_20 = tpu.memref_slice %arg15[%mul3A_0, %dma_wait3A] : memref<10240x128xf32, #tpu.memory_space<vmem_shared>> -> memref<640x128xf32, #tpu.memory_space<vmem_shared>>
      tpu.wait_dma2 semaphore(%run_scoped3A : memref<!tpu.dma_semaphore, #tpu.memory_space<semaphore_mem>>) src(%arg8 : memref<640x128xf32, #tpu.memory_space<hbm>>) dst(%dma_wait3A_20 : memref<640x128xf32, #tpu.memory_space<vmem_shared>>)
      tpu.yield
    }) : () -> ()
    %barrier3A = arith.constant 0 : index
    tpu.barrier barrier_id(%barrier3A)
    %eq3A = arith.constant 0 : i32
    %eq3A_1 = arith.cmpi eq, %arg0, %eq3A : i32
    %convert_element_type3A = arith.extui %eq3A_1 : i1 to i32
    %cond3A = arith.constant 0 : i32
    %cond3A_2 = arith.cmpi ne, %convert_element_type3A, %cond3A : i32
    scf.if %cond3A_2 {
      %scan3A = arith.constant 0 : i32
      %scan3A_19 = arith.constant 4 : i32
      %scan3A_20 = arith.addi %scan3A, %scan3A_19 : i32
      %scan3A_21 = arith.constant 1 : i32
      scf.for %scan3A_23 = %scan3A to %scan3A_20 step %scan3A_21  : i32 {
        %mul3A_24 = arith.constant 1 : i32
        %mul3A_25 = arith.muli %scan3A_23, %mul3A_24 : i32
        %add3A = arith.constant 0 : i32
        %add3A_26 = arith.addi %add3A, %mul3A_25 : i32
        "tpu.region"() ({
          %run_scoped3A_59 = tpu.sem_alloc : memref<!tpu.dma_semaphore, #tpu.memory_space<semaphore_mem>>
          %dma_start3A_60 = arith.constant 0 : i32
          %dma_start3A_61 = arith.constant 0 : i32
          %dma_start3A_62 = tpu.memref_slice %arg4[%arg1, %add3A_26, %dma_start3A_60, %dma_start3A_61] : memref<16x4x40x128xi32, #tpu.memory_space<hbm>> -> memref<1x1x40x128xi32, #tpu.memory_space<hbm>>
          %dma_start3A_63 = tpu.memref_squeeze %dma_start3A_62 : memref<1x1x40x128xi32, #tpu.memory_space<hbm>> -> memref<40x128xi32, #tpu.memory_space<hbm>>
          %dma_start3A_64 = arith.constant 0 : i32
          %dma_start3A_65 = arith.constant 0 : i32
          %dma_start3A_66 = tpu.memref_slice %arg4[%arg1, %add3A_26, %dma_start3A_64, %dma_start3A_65] : memref<16x4x40x128xi32, #tpu.memory_space<hbm>> -> memref<1x1x40x128xi32, #tpu.memory_space<hbm>>
          %dma_start3A_67 = tpu.memref_squeeze %dma_start3A_66 : memref<1x1x40x128xi32, #tpu.memory_space<hbm>> -> memref<40x128xi32, #tpu.memory_space<hbm>>
          tpu.enqueue_dma source(%dma_start3A_67 : memref<40x128xi32, #tpu.memory_space<hbm>>) target(%arg11 : memref<40x128xi32, #tpu.memory_space<vmem>>) target_semaphore(%run_scoped3A_59 : memref<!tpu.dma_semaphore, #tpu.memory_space<semaphore_mem>>)
          %dma_wait3A_68 = arith.constant 0 : i32
          %dma_wait3A_69 = arith.constant 0 : i32
          %dma_wait3A_70 = tpu.memref_slice %arg4[%arg1, %add3A_26, %dma_wait3A_68, %dma_wait3A_69] : memref<16x4x40x128xi32, #tpu.memory_space<hbm>> -> memref<1x1x40x128xi32, #tpu.memory_space<hbm>>
          %dma_wait3A_71 = tpu.memref_squeeze %dma_wait3A_70 : memref<1x1x40x128xi32, #tpu.memory_space<hbm>> -> memref<40x128xi32, #tpu.memory_space<hbm>>
          %dma_wait3A_72 = arith.constant 0 : i32
          %dma_wait3A_73 = arith.constant 0 : i32
          %dma_wait3A_74 = tpu.memref_slice %arg4[%arg1, %add3A_26, %dma_wait3A_72, %dma_wait3A_73] : memref<16x4x40x128xi32, #tpu.memory_space<hbm>> -> memref<1x1x40x128xi32, #tpu.memory_space<hbm>>
          %dma_wait3A_75 = tpu.memref_squeeze %dma_wait3A_74 : memref<1x1x40x128xi32, #tpu.memory_space<hbm>> -> memref<40x128xi32, #tpu.memory_space<hbm>>
          tpu.wait_dma2 semaphore(%run_scoped3A_59 : memref<!tpu.dma_semaphore, #tpu.memory_space<semaphore_mem>>) src(%dma_wait3A_75 : memref<40x128xi32, #tpu.memory_space<hbm>>) dst(%arg11 : memref<40x128xi32, #tpu.memory_space<vmem>>)
          tpu.yield
        }) : () -> ()
        "tpu.region"() ({
          %run_scoped3A_59 = tpu.sem_alloc : memref<!tpu.dma_semaphore, #tpu.memory_space<semaphore_mem>>
          %dma_start3A_60 = arith.constant 0 : i32
          %dma_start3A_61 = arith.constant 0 : i32
          %dma_start3A_62 = tpu.memref_slice %arg5[%arg1, %add3A_26, %dma_start3A_60, %dma_start3A_61] : memref<16x4x40x128xi32, #tpu.memory_space<hbm>> -> memref<1x1x40x128xi32, #tpu.memory_space<hbm>>
          %dma_start3A_63 = tpu.memref_squeeze %dma_start3A_62 : memref<1x1x40x128xi32, #tpu.memory_space<hbm>> -> memref<40x128xi32, #tpu.memory_space<hbm>>
          %dma_start3A_64 = arith.constant 0 : i32
          %dma_start3A_65 = arith.constant 0 : i32
          %dma_start3A_66 = tpu.memref_slice %arg5[%arg1, %add3A_26, %dma_start3A_64, %dma_start3A_65] : memref<16x4x40x128xi32, #tpu.memory_space<hbm>> -> memref<1x1x40x128xi32, #tpu.memory_space<hbm>>
          %dma_start3A_67 = tpu.memref_squeeze %dma_start3A_66 : memref<1x1x40x128xi32, #tpu.memory_space<hbm>> -> memref<40x128xi32, #tpu.memory_space<hbm>>
          tpu.enqueue_dma source(%dma_start3A_67 : memref<40x128xi32, #tpu.memory_space<hbm>>) target(%arg12 : memref<40x128xi32, #tpu.memory_space<vmem>>) target_semaphore(%run_scoped3A_59 : memref<!tpu.dma_semaphore, #tpu.memory_space<semaphore_mem>>)
          %dma_wait3A_68 = arith.constant 0 : i32
          %dma_wait3A_69 = arith.constant 0 : i32
          %dma_wait3A_70 = tpu.memref_slice %arg5[%arg1, %add3A_26, %dma_wait3A_68, %dma_wait3A_69] : memref<16x4x40x128xi32, #tpu.memory_space<hbm>> -> memref<1x1x40x128xi32, #tpu.memory_space<hbm>>
          %dma_wait3A_71 = tpu.memref_squeeze %dma_wait3A_70 : memref<1x1x40x128xi32, #tpu.memory_space<hbm>> -> memref<40x128xi32, #tpu.memory_space<hbm>>
          %dma_wait3A_72 = arith.constant 0 : i32
          %dma_wait3A_73 = arith.constant 0 : i32
          %dma_wait3A_74 = tpu.memref_slice %arg5[%arg1, %add3A_26, %dma_wait3A_72, %dma_wait3A_73] : memref<16x4x40x128xi32, #tpu.memory_space<hbm>> -> memref<1x1x40x128xi32, #tpu.memory_space<hbm>>
          %dma_wait3A_75 = tpu.memref_squeeze %dma_wait3A_74 : memref<1x1x40x128xi32, #tpu.memory_space<hbm>> -> memref<40x128xi32, #tpu.memory_space<hbm>>
          tpu.wait_dma2 semaphore(%run_scoped3A_59 : memref<!tpu.dma_semaphore, #tpu.memory_space<semaphore_mem>>) src(%dma_wait3A_75 : memref<40x128xi32, #tpu.memory_space<hbm>>) dst(%arg12 : memref<40x128xi32, #tpu.memory_space<vmem>>)
          tpu.yield
        }) : () -> ()
        %dma_start3A = arith.constant 0 : i32
        %dma_start3A_27 = arith.constant 0 : i32
        %dma_start3A_28 = tpu.memref_slice %arg11[%dma_start3A, %dma_start3A_27] : memref<40x128xi32, #tpu.memory_space<vmem>> -> memref<1x128xi32, #tpu.memory_space<vmem>>
        %dma_start3A_29 = tpu.memref_squeeze %dma_start3A_28 : memref<1x128xi32, #tpu.memory_space<vmem>> -> memref<128xi32, #tpu.memory_space<vmem>>
        %dma_start3A_30 = arith.constant 0 : i32
        %dma_start3A_31 = arith.constant 0 : i32
        %dma_start3A_32 = tpu.memref_slice %arg2[%dma_start3A_30, %dma_start3A_31] : memref<10000x128xf32, #tpu.memory_space<hbm>> -> memref<10000x128xf32, #tpu.memory_space<hbm>>
        tpu.enqueue_indirect_dma source(%dma_start3A_32 : memref<10000x128xf32, #tpu.memory_space<hbm>>) target(%arg13 : memref<128x128xf32, #tpu.memory_space<vmem>>) offsets(%dma_start3A_29 : memref<128xi32, #tpu.memory_space<vmem>>) semaphore(%arg16 : memref<!tpu.dma_semaphore, #tpu.memory_space<semaphore_mem>>)
        %scan3A_33 = arith.constant 0 : i32
        %scan3A_34 = arith.constant 19 : i32
        %scan3A_35 = arith.addi %scan3A_33, %scan3A_34 : i32
        %scan3A_36 = arith.constant 1 : i32
        scf.for %scan3A_59 = %scan3A_33 to %scan3A_35 step %scan3A_36  : i32 {
          %mul3A_60 = arith.constant 2 : i32
          %mul3A_61 = arith.muli %scan3A_59, %mul3A_60 : i32
          %add3A_62 = arith.constant 0 : i32
          %add3A_63 = arith.addi %add3A_62, %mul3A_61 : i32
          %add3A_64 = arith.constant 1 : i32
          %add3A_65 = arith.addi %add3A_63, %add3A_64 : i32
          %dma_start3A_66 = arith.constant 0 : i32
          %dma_start3A_67 = tpu.memref_slice %arg11[%add3A_65, %dma_start3A_66] : memref<40x128xi32, #tpu.memory_space<vmem>> -> memref<1x128xi32, #tpu.memory_space<vmem>>
          %dma_start3A_68 = tpu.memref_squeeze %dma_start3A_67 : memref<1x128xi32, #tpu.memory_space<vmem>> -> memref<128xi32, #tpu.memory_space<vmem>>
          %dma_start3A_69 = arith.constant 0 : i32
          %dma_start3A_70 = arith.constant 0 : i32
          %dma_start3A_71 = tpu.memref_slice %arg2[%dma_start3A_69, %dma_start3A_70] : memref<10000x128xf32, #tpu.memory_space<hbm>> -> memref<10000x128xf32, #tpu.memory_space<hbm>>
          tpu.enqueue_indirect_dma source(%dma_start3A_71 : memref<10000x128xf32, #tpu.memory_space<hbm>>) target(%arg14 : memref<128x128xf32, #tpu.memory_space<vmem>>) offsets(%dma_start3A_68 : memref<128xi32, #tpu.memory_space<vmem>>) semaphore(%arg17 : memref<!tpu.dma_semaphore, #tpu.memory_space<semaphore_mem>>)
          %dma_wait3A_72 = arith.constant 0 : i32
          %dma_wait3A_73 = tpu.memref_slice %arg11[%add3A_63, %dma_wait3A_72] : memref<40x128xi32, #tpu.memory_space<vmem>> -> memref<1x128xi32, #tpu.memory_space<vmem>>
          %dma_wait3A_74 = tpu.memref_squeeze %dma_wait3A_73 : memref<1x128xi32, #tpu.memory_space<vmem>> -> memref<128xi32, #tpu.memory_space<vmem>>
          %dma_wait3A_75 = arith.constant 0 : i32
          %dma_wait3A_76 = arith.constant 0 : i32
          %dma_wait3A_77 = tpu.memref_slice %arg2[%dma_wait3A_75, %dma_wait3A_76] : memref<10000x128xf32, #tpu.memory_space<hbm>> -> memref<10000x128xf32, #tpu.memory_space<hbm>>
          tpu.wait_indirect_dma semaphore(%arg16 : memref<!tpu.dma_semaphore, #tpu.memory_space<semaphore_mem>>) src(%dma_wait3A_77 : memref<10000x128xf32, #tpu.memory_space<hbm>>) dst(%arg13 : memref<128x128xf32, #tpu.memory_space<vmem>>)
          "tpu.region"() ({
            %run_scoped3A_96 = tpu.sem_alloc : memref<!tpu.dma_semaphore, #tpu.memory_space<semaphore_mem>>
            %dma_start3A_97 = arith.constant 0 : i32
            %dma_start3A_98 = tpu.memref_slice %arg12[%add3A_63, %dma_start3A_97] : memref<40x128xi32, #tpu.memory_space<vmem>> -> memref<1x128xi32, #tpu.memory_space<vmem>>
            %dma_start3A_99 = tpu.memref_squeeze %dma_start3A_98 : memref<1x128xi32, #tpu.memory_space<vmem>> -> memref<128xi32, #tpu.memory_space<vmem>>
            %dma_start3A_100 = arith.constant 0 : i32
            %dma_start3A_101 = arith.constant 0 : i32
            %dma_start3A_102 = tpu.memref_slice %arg15[%dma_start3A_100, %dma_start3A_101] : memref<10240x128xf32, #tpu.memory_space<vmem_shared>> -> memref<10240x128xf32, #tpu.memory_space<vmem_shared>>
            tpu.enqueue_indirect_dma source(%arg13 : memref<128x128xf32, #tpu.memory_space<vmem>>) target(%dma_start3A_102 : memref<10240x128xf32, #tpu.memory_space<vmem_shared>>) offsets(%dma_start3A_99 : memref<128xi32, #tpu.memory_space<vmem>>) semaphore(%run_scoped3A_96 : memref<!tpu.dma_semaphore, #tpu.memory_space<semaphore_mem>>) {add = true}
            %dma_wait3A_103 = arith.constant 0 : i32
            %dma_wait3A_104 = tpu.memref_slice %arg12[%add3A_63, %dma_wait3A_103] : memref<40x128xi32, #tpu.memory_space<vmem>> -> memref<1x128xi32, #tpu.memory_space<vmem>>
            %dma_wait3A_105 = tpu.memref_squeeze %dma_wait3A_104 : memref<1x128xi32, #tpu.memory_space<vmem>> -> memref<128xi32, #tpu.memory_space<vmem>>
            %dma_wait3A_106 = arith.constant 0 : i32
            %dma_wait3A_107 = arith.constant 0 : i32
            %dma_wait3A_108 = tpu.memref_slice %arg15[%dma_wait3A_106, %dma_wait3A_107] : memref<10240x128xf32, #tpu.memory_space<vmem_shared>> -> memref<10240x128xf32, #tpu.memory_space<vmem_shared>>
            tpu.wait_indirect_dma semaphore(%run_scoped3A_96 : memref<!tpu.dma_semaphore, #tpu.memory_space<semaphore_mem>>) src(%arg13 : memref<128x128xf32, #tpu.memory_space<vmem>>) dst(%dma_wait3A_108 : memref<10240x128xf32, #tpu.memory_space<vmem_shared>>)
            tpu.yield
          }) : () -> ()
          %add3A_78 = arith.constant 2 : i32
          %add3A_79 = arith.addi %add3A_63, %add3A_78 : i32
          %dma_start3A_80 = arith.constant 0 : i32
          %dma_start3A_81 = tpu.memref_slice %arg11[%add3A_79, %dma_start3A_80] : memref<40x128xi32, #tpu.memory_space<vmem>> -> memref<1x128xi32, #tpu.memory_space<vmem>>
          %dma_start3A_82 = tpu.memref_squeeze %dma_start3A_81 : memref<1x128xi32, #tpu.memory_space<vmem>> -> memref<128xi32, #tpu.memory_space<vmem>>
          %dma_start3A_83 = arith.constant 0 : i32
          %dma_start3A_84 = arith.constant 0 : i32
          %dma_start3A_85 = tpu.memref_slice %arg2[%dma_start3A_83, %dma_start3A_84] : memref<10000x128xf32, #tpu.memory_space<hbm>> -> memref<10000x128xf32, #tpu.memory_space<hbm>>
          tpu.enqueue_indirect_dma source(%dma_start3A_85 : memref<10000x128xf32, #tpu.memory_space<hbm>>) target(%arg13 : memref<128x128xf32, #tpu.memory_space<vmem>>) offsets(%dma_start3A_82 : memref<128xi32, #tpu.memory_space<vmem>>) semaphore(%arg16 : memref<!tpu.dma_semaphore, #tpu.memory_space<semaphore_mem>>)
          %add3A_86 = arith.constant 1 : i32
          %add3A_87 = arith.addi %add3A_63, %add3A_86 : i32
          %dma_wait3A_88 = arith.constant 0 : i32
          %dma_wait3A_89 = tpu.memref_slice %arg11[%add3A_87, %dma_wait3A_88] : memref<40x128xi32, #tpu.memory_space<vmem>> -> memref<1x128xi32, #tpu.memory_space<vmem>>
          %dma_wait3A_90 = tpu.memref_squeeze %dma_wait3A_89 : memref<1x128xi32, #tpu.memory_space<vmem>> -> memref<128xi32, #tpu.memory_space<vmem>>
          %dma_wait3A_91 = arith.constant 0 : i32
          %dma_wait3A_92 = arith.constant 0 : i32
          %dma_wait3A_93 = tpu.memref_slice %arg2[%dma_wait3A_91, %dma_wait3A_92] : memref<10000x128xf32, #tpu.memory_space<hbm>> -> memref<10000x128xf32, #tpu.memory_space<hbm>>
          tpu.wait_indirect_dma semaphore(%arg17 : memref<!tpu.dma_semaphore, #tpu.memory_space<semaphore_mem>>) src(%dma_wait3A_93 : memref<10000x128xf32, #tpu.memory_space<hbm>>) dst(%arg14 : memref<128x128xf32, #tpu.memory_space<vmem>>)
          %add3A_94 = arith.constant 1 : i32
          %add3A_95 = arith.addi %add3A_63, %add3A_94 : i32
          "tpu.region"() ({
            %run_scoped3A_96 = tpu.sem_alloc : memref<!tpu.dma_semaphore, #tpu.memory_space<semaphore_mem>>
            %dma_start3A_97 = arith.constant 0 : i32
            %dma_start3A_98 = tpu.memref_slice %arg12[%add3A_95, %dma_start3A_97] : memref<40x128xi32, #tpu.memory_space<vmem>> -> memref<1x128xi32, #tpu.memory_space<vmem>>
            %dma_start3A_99 = tpu.memref_squeeze %dma_start3A_98 : memref<1x128xi32, #tpu.memory_space<vmem>> -> memref<128xi32, #tpu.memory_space<vmem>>
            %dma_start3A_100 = arith.constant 0 : i32
            %dma_start3A_101 = arith.constant 0 : i32
            %dma_start3A_102 = tpu.memref_slice %arg15[%dma_start3A_100, %dma_start3A_101] : memref<10240x128xf32, #tpu.memory_space<vmem_shared>> -> memref<10240x128xf32, #tpu.memory_space<vmem_shared>>
            tpu.enqueue_indirect_dma source(%arg14 : memref<128x128xf32, #tpu.memory_space<vmem>>) target(%dma_start3A_102 : memref<10240x128xf32, #tpu.memory_space<vmem_shared>>) offsets(%dma_start3A_99 : memref<128xi32, #tpu.memory_space<vmem>>) semaphore(%run_scoped3A_96 : memref<!tpu.dma_semaphore, #tpu.memory_space<semaphore_mem>>) {add = true}
            %dma_wait3A_103 = arith.constant 0 : i32
            %dma_wait3A_104 = tpu.memref_slice %arg12[%add3A_95, %dma_wait3A_103] : memref<40x128xi32, #tpu.memory_space<vmem>> -> memref<1x128xi32, #tpu.memory_space<vmem>>
            %dma_wait3A_105 = tpu.memref_squeeze %dma_wait3A_104 : memref<1x128xi32, #tpu.memory_space<vmem>> -> memref<128xi32, #tpu.memory_space<vmem>>
            %dma_wait3A_106 = arith.constant 0 : i32
            %dma_wait3A_107 = arith.constant 0 : i32
            %dma_wait3A_108 = tpu.memref_slice %arg15[%dma_wait3A_106, %dma_wait3A_107] : memref<10240x128xf32, #tpu.memory_space<vmem_shared>> -> memref<10240x128xf32, #tpu.memory_space<vmem_shared>>
            tpu.wait_indirect_dma semaphore(%run_scoped3A_96 : memref<!tpu.dma_semaphore, #tpu.memory_space<semaphore_mem>>) src(%arg14 : memref<128x128xf32, #tpu.memory_space<vmem>>) dst(%dma_wait3A_108 : memref<10240x128xf32, #tpu.memory_space<vmem_shared>>)
            tpu.yield
          }) : () -> ()
        }
        %scan3A_37 = arith.constant 19 : i32
        %dma_start3A_38 = arith.constant 39 : i32
        %dma_start3A_39 = arith.constant 0 : i32
        %dma_start3A_40 = tpu.memref_slice %arg11[%dma_start3A_38, %dma_start3A_39] : memref<40x128xi32, #tpu.memory_space<vmem>> -> memref<1x128xi32, #tpu.memory_space<vmem>>
        %dma_start3A_41 = tpu.memref_squeeze %dma_start3A_40 : memref<1x128xi32, #tpu.memory_space<vmem>> -> memref<128xi32, #tpu.memory_space<vmem>>
        %dma_start3A_42 = arith.constant 0 : i32
        %dma_start3A_43 = arith.constant 0 : i32
        %dma_start3A_44 = tpu.memref_slice %arg2[%dma_start3A_42, %dma_start3A_43] : memref<10000x128xf32, #tpu.memory_space<hbm>> -> memref<10000x128xf32, #tpu.memory_space<hbm>>
        tpu.enqueue_indirect_dma source(%dma_start3A_44 : memref<10000x128xf32, #tpu.memory_space<hbm>>) target(%arg14 : memref<128x128xf32, #tpu.memory_space<vmem>>) offsets(%dma_start3A_41 : memref<128xi32, #tpu.memory_space<vmem>>) semaphore(%arg17 : memref<!tpu.dma_semaphore, #tpu.memory_space<semaphore_mem>>)
        %dma_wait3A = arith.constant 38 : i32
        %dma_wait3A_45 = arith.constant 0 : i32
        %dma_wait3A_46 = tpu.memref_slice %arg11[%dma_wait3A, %dma_wait3A_45] : memref<40x128xi32, #tpu.memory_space<vmem>> -> memref<1x128xi32, #tpu.memory_space<vmem>>
        %dma_wait3A_47 = tpu.memref_squeeze %dma_wait3A_46 : memref<1x128xi32, #tpu.memory_space<vmem>> -> memref<128xi32, #tpu.memory_space<vmem>>
        %dma_wait3A_48 = arith.constant 0 : i32
        %dma_wait3A_49 = arith.constant 0 : i32
        %dma_wait3A_50 = tpu.memref_slice %arg2[%dma_wait3A_48, %dma_wait3A_49] : memref<10000x128xf32, #tpu.memory_space<hbm>> -> memref<10000x128xf32, #tpu.memory_space<hbm>>
        tpu.wait_indirect_dma semaphore(%arg16 : memref<!tpu.dma_semaphore, #tpu.memory_space<semaphore_mem>>) src(%dma_wait3A_50 : memref<10000x128xf32, #tpu.memory_space<hbm>>) dst(%arg13 : memref<128x128xf32, #tpu.memory_space<vmem>>)
        %run_scoped3A = arith.constant 38 : i32
        "tpu.region"() ({
          %run_scoped3A_59 = tpu.sem_alloc : memref<!tpu.dma_semaphore, #tpu.memory_space<semaphore_mem>>
          %dma_start3A_60 = arith.constant 0 : i32
          %dma_start3A_61 = tpu.memref_slice %arg12[%run_scoped3A, %dma_start3A_60] : memref<40x128xi32, #tpu.memory_space<vmem>> -> memref<1x128xi32, #tpu.memory_space<vmem>>
          %dma_start3A_62 = tpu.memref_squeeze %dma_start3A_61 : memref<1x128xi32, #tpu.memory_space<vmem>> -> memref<128xi32, #tpu.memory_space<vmem>>
          %dma_start3A_63 = arith.constant 0 : i32
          %dma_start3A_64 = arith.constant 0 : i32
          %dma_start3A_65 = tpu.memref_slice %arg15[%dma_start3A_63, %dma_start3A_64] : memref<10240x128xf32, #tpu.memory_space<vmem_shared>> -> memref<10240x128xf32, #tpu.memory_space<vmem_shared>>
          tpu.enqueue_indirect_dma source(%arg13 : memref<128x128xf32, #tpu.memory_space<vmem>>) target(%dma_start3A_65 : memref<10240x128xf32, #tpu.memory_space<vmem_shared>>) offsets(%dma_start3A_62 : memref<128xi32, #tpu.memory_space<vmem>>) semaphore(%run_scoped3A_59 : memref<!tpu.dma_semaphore, #tpu.memory_space<semaphore_mem>>) {add = true}
          %dma_wait3A_66 = arith.constant 0 : i32
          %dma_wait3A_67 = tpu.memref_slice %arg12[%run_scoped3A, %dma_wait3A_66] : memref<40x128xi32, #tpu.memory_space<vmem>> -> memref<1x128xi32, #tpu.memory_space<vmem>>
          %dma_wait3A_68 = tpu.memref_squeeze %dma_wait3A_67 : memref<1x128xi32, #tpu.memory_space<vmem>> -> memref<128xi32, #tpu.memory_space<vmem>>
          %dma_wait3A_69 = arith.constant 0 : i32
          %dma_wait3A_70 = arith.constant 0 : i32
          %dma_wait3A_71 = tpu.memref_slice %arg15[%dma_wait3A_69, %dma_wait3A_70] : memref<10240x128xf32, #tpu.memory_space<vmem_shared>> -> memref<10240x128xf32, #tpu.memory_space<vmem_shared>>
          tpu.wait_indirect_dma semaphore(%run_scoped3A_59 : memref<!tpu.dma_semaphore, #tpu.memory_space<semaphore_mem>>) src(%arg13 : memref<128x128xf32, #tpu.memory_space<vmem>>) dst(%dma_wait3A_71 : memref<10240x128xf32, #tpu.memory_space<vmem_shared>>)
          tpu.yield
        }) : () -> ()
        %dma_wait3A_51 = arith.constant 39 : i32
        %dma_wait3A_52 = arith.constant 0 : i32
        %dma_wait3A_53 = tpu.memref_slice %arg11[%dma_wait3A_51, %dma_wait3A_52] : memref<40x128xi32, #tpu.memory_space<vmem>> -> memref<1x128xi32, #tpu.memory_space<vmem>>
        %dma_wait3A_54 = tpu.memref_squeeze %dma_wait3A_53 : memref<1x128xi32, #tpu.memory_space<vmem>> -> memref<128xi32, #tpu.memory_space<vmem>>
        %dma_wait3A_55 = arith.constant 0 : i32
        %dma_wait3A_56 = arith.constant 0 : i32
        %dma_wait3A_57 = tpu.memref_slice %arg2[%dma_wait3A_55, %dma_wait3A_56] : memref<10000x128xf32, #tpu.memory_space<hbm>> -> memref<10000x128xf32, #tpu.memory_space<hbm>>
        tpu.wait_indirect_dma semaphore(%arg17 : memref<!tpu.dma_semaphore, #tpu.memory_space<semaphore_mem>>) src(%dma_wait3A_57 : memref<10000x128xf32, #tpu.memory_space<hbm>>) dst(%arg14 : memref<128x128xf32, #tpu.memory_space<vmem>>)
        %run_scoped3A_58 = arith.constant 39 : i32
        "tpu.region"() ({
          %run_scoped3A_59 = tpu.sem_alloc : memref<!tpu.dma_semaphore, #tpu.memory_space<semaphore_mem>>
          %dma_start3A_60 = arith.constant 0 : i32
          %dma_start3A_61 = tpu.memref_slice %arg12[%run_scoped3A_58, %dma_start3A_60] : memref<40x128xi32, #tpu.memory_space<vmem>> -> memref<1x128xi32, #tpu.memory_space<vmem>>
          %dma_start3A_62 = tpu.memref_squeeze %dma_start3A_61 : memref<1x128xi32, #tpu.memory_space<vmem>> -> memref<128xi32, #tpu.memory_space<vmem>>
          %dma_start3A_63 = arith.constant 0 : i32
          %dma_start3A_64 = arith.constant 0 : i32
          %dma_start3A_65 = tpu.memref_slice %arg15[%dma_start3A_63, %dma_start3A_64] : memref<10240x128xf32, #tpu.memory_space<vmem_shared>> -> memref<10240x128xf32, #tpu.memory_space<vmem_shared>>
          tpu.enqueue_indirect_dma source(%arg14 : memref<128x128xf32, #tpu.memory_space<vmem>>) target(%dma_start3A_65 : memref<10240x128xf32, #tpu.memory_space<vmem_shared>>) offsets(%dma_start3A_62 : memref<128xi32, #tpu.memory_space<vmem>>) semaphore(%run_scoped3A_59 : memref<!tpu.dma_semaphore, #tpu.memory_space<semaphore_mem>>) {add = true}
          %dma_wait3A_66 = arith.constant 0 : i32
          %dma_wait3A_67 = tpu.memref_slice %arg12[%run_scoped3A_58, %dma_wait3A_66] : memref<40x128xi32, #tpu.memory_space<vmem>> -> memref<1x128xi32, #tpu.memory_space<vmem>>
          %dma_wait3A_68 = tpu.memref_squeeze %dma_wait3A_67 : memref<1x128xi32, #tpu.memory_space<vmem>> -> memref<128xi32, #tpu.memory_space<vmem>>
          %dma_wait3A_69 = arith.constant 0 : i32
          %dma_wait3A_70 = arith.constant 0 : i32
          %dma_wait3A_71 = tpu.memref_slice %arg15[%dma_wait3A_69, %dma_wait3A_70] : memref<10240x128xf32, #tpu.memory_space<vmem_shared>> -> memref<10240x128xf32, #tpu.memory_space<vmem_shared>>
          tpu.wait_indirect_dma semaphore(%run_scoped3A_59 : memref<!tpu.dma_semaphore, #tpu.memory_space<semaphore_mem>>) src(%arg14 : memref<128x128xf32, #tpu.memory_space<vmem>>) dst(%dma_wait3A_71 : memref<10240x128xf32, #tpu.memory_space<vmem_shared>>)
          tpu.yield
        }) : () -> ()
      }
      %scan3A_22 = arith.constant 4 : i32
    } else {
    }
    %eq3A_3 = arith.constant 1 : i32
    %eq3A_4 = arith.cmpi eq, %arg0, %eq3A_3 : i32
    %convert_element_type3A_5 = arith.extui %eq3A_4 : i1 to i32
    %cond3A_6 = arith.constant 0 : i32
    %cond3A_7 = arith.cmpi ne, %convert_element_type3A_5, %cond3A_6 : i32
    scf.if %cond3A_7 {
      %scan3A = arith.constant 0 : i32
      %scan3A_19 = arith.constant 4 : i32
      %scan3A_20 = arith.addi %scan3A, %scan3A_19 : i32
      %scan3A_21 = arith.constant 1 : i32
      scf.for %scan3A_23 = %scan3A to %scan3A_20 step %scan3A_21  : i32 {
        %mul3A_24 = arith.constant 1 : i32
        %mul3A_25 = arith.muli %scan3A_23, %mul3A_24 : i32
        %add3A = arith.constant 0 : i32
        %add3A_26 = arith.addi %add3A, %mul3A_25 : i32
        "tpu.region"() ({
          %run_scoped3A_59 = tpu.sem_alloc : memref<!tpu.dma_semaphore, #tpu.memory_space<semaphore_mem>>
          %dma_start3A_60 = arith.constant 0 : i32
          %dma_start3A_61 = arith.constant 0 : i32
          %dma_start3A_62 = tpu.memref_slice %arg6[%arg1, %add3A_26, %dma_start3A_60, %dma_start3A_61] : memref<16x4x40x128xi32, #tpu.memory_space<hbm>> -> memref<1x1x40x128xi32, #tpu.memory_space<hbm>>
          %dma_start3A_63 = tpu.memref_squeeze %dma_start3A_62 : memref<1x1x40x128xi32, #tpu.memory_space<hbm>> -> memref<40x128xi32, #tpu.memory_space<hbm>>
          %dma_start3A_64 = arith.constant 0 : i32
          %dma_start3A_65 = arith.constant 0 : i32
          %dma_start3A_66 = tpu.memref_slice %arg6[%arg1, %add3A_26, %dma_start3A_64, %dma_start3A_65] : memref<16x4x40x128xi32, #tpu.memory_space<hbm>> -> memref<1x1x40x128xi32, #tpu.memory_space<hbm>>
          %dma_start3A_67 = tpu.memref_squeeze %dma_start3A_66 : memref<1x1x40x128xi32, #tpu.memory_space<hbm>> -> memref<40x128xi32, #tpu.memory_space<hbm>>
          tpu.enqueue_dma source(%dma_start3A_67 : memref<40x128xi32, #tpu.memory_space<hbm>>) target(%arg11 : memref<40x128xi32, #tpu.memory_space<vmem>>) target_semaphore(%run_scoped3A_59 : memref<!tpu.dma_semaphore, #tpu.memory_space<semaphore_mem>>)
          %dma_wait3A_68 = arith.constant 0 : i32
          %dma_wait3A_69 = arith.constant 0 : i32
          %dma_wait3A_70 = tpu.memref_slice %arg6[%arg1, %add3A_26, %dma_wait3A_68, %dma_wait3A_69] : memref<16x4x40x128xi32, #tpu.memory_space<hbm>> -> memref<1x1x40x128xi32, #tpu.memory_space<hbm>>
          %dma_wait3A_71 = tpu.memref_squeeze %dma_wait3A_70 : memref<1x1x40x128xi32, #tpu.memory_space<hbm>> -> memref<40x128xi32, #tpu.memory_space<hbm>>
          %dma_wait3A_72 = arith.constant 0 : i32
          %dma_wait3A_73 = arith.constant 0 : i32
          %dma_wait3A_74 = tpu.memref_slice %arg6[%arg1, %add3A_26, %dma_wait3A_72, %dma_wait3A_73] : memref<16x4x40x128xi32, #tpu.memory_space<hbm>> -> memref<1x1x40x128xi32, #tpu.memory_space<hbm>>
          %dma_wait3A_75 = tpu.memref_squeeze %dma_wait3A_74 : memref<1x1x40x128xi32, #tpu.memory_space<hbm>> -> memref<40x128xi32, #tpu.memory_space<hbm>>
          tpu.wait_dma2 semaphore(%run_scoped3A_59 : memref<!tpu.dma_semaphore, #tpu.memory_space<semaphore_mem>>) src(%dma_wait3A_75 : memref<40x128xi32, #tpu.memory_space<hbm>>) dst(%arg11 : memref<40x128xi32, #tpu.memory_space<vmem>>)
          tpu.yield
        }) : () -> ()
        "tpu.region"() ({
          %run_scoped3A_59 = tpu.sem_alloc : memref<!tpu.dma_semaphore, #tpu.memory_space<semaphore_mem>>
          %dma_start3A_60 = arith.constant 0 : i32
          %dma_start3A_61 = arith.constant 0 : i32
          %dma_start3A_62 = tpu.memref_slice %arg7[%arg1, %add3A_26, %dma_start3A_60, %dma_start3A_61] : memref<16x4x40x128xi32, #tpu.memory_space<hbm>> -> memref<1x1x40x128xi32, #tpu.memory_space<hbm>>
          %dma_start3A_63 = tpu.memref_squeeze %dma_start3A_62 : memref<1x1x40x128xi32, #tpu.memory_space<hbm>> -> memref<40x128xi32, #tpu.memory_space<hbm>>
          %dma_start3A_64 = arith.constant 0 : i32
          %dma_start3A_65 = arith.constant 0 : i32
          %dma_start3A_66 = tpu.memref_slice %arg7[%arg1, %add3A_26, %dma_start3A_64, %dma_start3A_65] : memref<16x4x40x128xi32, #tpu.memory_space<hbm>> -> memref<1x1x40x128xi32, #tpu.memory_space<hbm>>
          %dma_start3A_67 = tpu.memref_squeeze %dma_start3A_66 : memref<1x1x40x128xi32, #tpu.memory_space<hbm>> -> memref<40x128xi32, #tpu.memory_space<hbm>>
          tpu.enqueue_dma source(%dma_start3A_67 : memref<40x128xi32, #tpu.memory_space<hbm>>) target(%arg12 : memref<40x128xi32, #tpu.memory_space<vmem>>) target_semaphore(%run_scoped3A_59 : memref<!tpu.dma_semaphore, #tpu.memory_space<semaphore_mem>>)
          %dma_wait3A_68 = arith.constant 0 : i32
          %dma_wait3A_69 = arith.constant 0 : i32
          %dma_wait3A_70 = tpu.memref_slice %arg7[%arg1, %add3A_26, %dma_wait3A_68, %dma_wait3A_69] : memref<16x4x40x128xi32, #tpu.memory_space<hbm>> -> memref<1x1x40x128xi32, #tpu.memory_space<hbm>>
          %dma_wait3A_71 = tpu.memref_squeeze %dma_wait3A_70 : memref<1x1x40x128xi32, #tpu.memory_space<hbm>> -> memref<40x128xi32, #tpu.memory_space<hbm>>
          %dma_wait3A_72 = arith.constant 0 : i32
          %dma_wait3A_73 = arith.constant 0 : i32
          %dma_wait3A_74 = tpu.memref_slice %arg7[%arg1, %add3A_26, %dma_wait3A_72, %dma_wait3A_73] : memref<16x4x40x128xi32, #tpu.memory_space<hbm>> -> memref<1x1x40x128xi32, #tpu.memory_space<hbm>>
          %dma_wait3A_75 = tpu.memref_squeeze %dma_wait3A_74 : memref<1x1x40x128xi32, #tpu.memory_space<hbm>> -> memref<40x128xi32, #tpu.memory_space<hbm>>
          tpu.wait_dma2 semaphore(%run_scoped3A_59 : memref<!tpu.dma_semaphore, #tpu.memory_space<semaphore_mem>>) src(%dma_wait3A_75 : memref<40x128xi32, #tpu.memory_space<hbm>>) dst(%arg12 : memref<40x128xi32, #tpu.memory_space<vmem>>)
          tpu.yield
        }) : () -> ()
        %dma_start3A = arith.constant 0 : i32
        %dma_start3A_27 = arith.constant 0 : i32
        %dma_start3A_28 = tpu.memref_slice %arg11[%dma_start3A, %dma_start3A_27] : memref<40x128xi32, #tpu.memory_space<vmem>> -> memref<1x128xi32, #tpu.memory_space<vmem>>
        %dma_start3A_29 = tpu.memref_squeeze %dma_start3A_28 : memref<1x128xi32, #tpu.memory_space<vmem>> -> memref<128xi32, #tpu.memory_space<vmem>>
        %dma_start3A_30 = arith.constant 0 : i32
        %dma_start3A_31 = arith.constant 0 : i32
        %dma_start3A_32 = tpu.memref_slice %arg3[%dma_start3A_30, %dma_start3A_31] : memref<10000x128xf32, #tpu.memory_space<hbm>> -> memref<10000x128xf32, #tpu.memory_space<hbm>>
        tpu.enqueue_indirect_dma source(%dma_start3A_32 : memref<10000x128xf32, #tpu.memory_space<hbm>>) target(%arg13 : memref<128x128xf32, #tpu.memory_space<vmem>>) offsets(%dma_start3A_29 : memref<128xi32, #tpu.memory_space<vmem>>) semaphore(%arg16 : memref<!tpu.dma_semaphore, #tpu.memory_space<semaphore_mem>>)
        %scan3A_33 = arith.constant 0 : i32
        %scan3A_34 = arith.constant 19 : i32
        %scan3A_35 = arith.addi %scan3A_33, %scan3A_34 : i32
        %scan3A_36 = arith.constant 1 : i32
        scf.for %scan3A_59 = %scan3A_33 to %scan3A_35 step %scan3A_36  : i32 {
          %mul3A_60 = arith.constant 2 : i32
          %mul3A_61 = arith.muli %scan3A_59, %mul3A_60 : i32
          %add3A_62 = arith.constant 0 : i32
          %add3A_63 = arith.addi %add3A_62, %mul3A_61 : i32
          %add3A_64 = arith.constant 1 : i32
          %add3A_65 = arith.addi %add3A_63, %add3A_64 : i32
          %dma_start3A_66 = arith.constant 0 : i32
          %dma_start3A_67 = tpu.memref_slice %arg11[%add3A_65, %dma_start3A_66] : memref<40x128xi32, #tpu.memory_space<vmem>> -> memref<1x128xi32, #tpu.memory_space<vmem>>
          %dma_start3A_68 = tpu.memref_squeeze %dma_start3A_67 : memref<1x128xi32, #tpu.memory_space<vmem>> -> memref<128xi32, #tpu.memory_space<vmem>>
          %dma_start3A_69 = arith.constant 0 : i32
          %dma_start3A_70 = arith.constant 0 : i32
          %dma_start3A_71 = tpu.memref_slice %arg3[%dma_start3A_69, %dma_start3A_70] : memref<10000x128xf32, #tpu.memory_space<hbm>> -> memref<10000x128xf32, #tpu.memory_space<hbm>>
          tpu.enqueue_indirect_dma source(%dma_start3A_71 : memref<10000x128xf32, #tpu.memory_space<hbm>>) target(%arg14 : memref<128x128xf32, #tpu.memory_space<vmem>>) offsets(%dma_start3A_68 : memref<128xi32, #tpu.memory_space<vmem>>) semaphore(%arg17 : memref<!tpu.dma_semaphore, #tpu.memory_space<semaphore_mem>>)
          %dma_wait3A_72 = arith.constant 0 : i32
          %dma_wait3A_73 = tpu.memref_slice %arg11[%add3A_63, %dma_wait3A_72] : memref<40x128xi32, #tpu.memory_space<vmem>> -> memref<1x128xi32, #tpu.memory_space<vmem>>
          %dma_wait3A_74 = tpu.memref_squeeze %dma_wait3A_73 : memref<1x128xi32, #tpu.memory_space<vmem>> -> memref<128xi32, #tpu.memory_space<vmem>>
          %dma_wait3A_75 = arith.constant 0 : i32
          %dma_wait3A_76 = arith.constant 0 : i32
          %dma_wait3A_77 = tpu.memref_slice %arg3[%dma_wait3A_75, %dma_wait3A_76] : memref<10000x128xf32, #tpu.memory_space<hbm>> -> memref<10000x128xf32, #tpu.memory_space<hbm>>
          tpu.wait_indirect_dma semaphore(%arg16 : memref<!tpu.dma_semaphore, #tpu.memory_space<semaphore_mem>>) src(%dma_wait3A_77 : memref<10000x128xf32, #tpu.memory_space<hbm>>) dst(%arg13 : memref<128x128xf32, #tpu.memory_space<vmem>>)
          "tpu.region"() ({
            %run_scoped3A_96 = tpu.sem_alloc : memref<!tpu.dma_semaphore, #tpu.memory_space<semaphore_mem>>
            %dma_start3A_97 = arith.constant 0 : i32
            %dma_start3A_98 = tpu.memref_slice %arg12[%add3A_63, %dma_start3A_97] : memref<40x128xi32, #tpu.memory_space<vmem>> -> memref<1x128xi32, #tpu.memory_space<vmem>>
            %dma_start3A_99 = tpu.memref_squeeze %dma_start3A_98 : memref<1x128xi32, #tpu.memory_space<vmem>> -> memref<128xi32, #tpu.memory_space<vmem>>
            %dma_start3A_100 = arith.constant 0 : i32
            %dma_start3A_101 = arith.constant 0 : i32
            %dma_start3A_102 = tpu.memref_slice %arg15[%dma_start3A_100, %dma_start3A_101] : memref<10240x128xf32, #tpu.memory_space<vmem_shared>> -> memref<10240x128xf32, #tpu.memory_space<vmem_shared>>
            tpu.enqueue_indirect_dma source(%arg13 : memref<128x128xf32, #tpu.memory_space<vmem>>) target(%dma_start3A_102 : memref<10240x128xf32, #tpu.memory_space<vmem_shared>>) offsets(%dma_start3A_99 : memref<128xi32, #tpu.memory_space<vmem>>) semaphore(%run_scoped3A_96 : memref<!tpu.dma_semaphore, #tpu.memory_space<semaphore_mem>>) {add = true}
            %dma_wait3A_103 = arith.constant 0 : i32
            %dma_wait3A_104 = tpu.memref_slice %arg12[%add3A_63, %dma_wait3A_103] : memref<40x128xi32, #tpu.memory_space<vmem>> -> memref<1x128xi32, #tpu.memory_space<vmem>>
            %dma_wait3A_105 = tpu.memref_squeeze %dma_wait3A_104 : memref<1x128xi32, #tpu.memory_space<vmem>> -> memref<128xi32, #tpu.memory_space<vmem>>
            %dma_wait3A_106 = arith.constant 0 : i32
            %dma_wait3A_107 = arith.constant 0 : i32
            %dma_wait3A_108 = tpu.memref_slice %arg15[%dma_wait3A_106, %dma_wait3A_107] : memref<10240x128xf32, #tpu.memory_space<vmem_shared>> -> memref<10240x128xf32, #tpu.memory_space<vmem_shared>>
            tpu.wait_indirect_dma semaphore(%run_scoped3A_96 : memref<!tpu.dma_semaphore, #tpu.memory_space<semaphore_mem>>) src(%arg13 : memref<128x128xf32, #tpu.memory_space<vmem>>) dst(%dma_wait3A_108 : memref<10240x128xf32, #tpu.memory_space<vmem_shared>>)
            tpu.yield
          }) : () -> ()
          %add3A_78 = arith.constant 2 : i32
          %add3A_79 = arith.addi %add3A_63, %add3A_78 : i32
          %dma_start3A_80 = arith.constant 0 : i32
          %dma_start3A_81 = tpu.memref_slice %arg11[%add3A_79, %dma_start3A_80] : memref<40x128xi32, #tpu.memory_space<vmem>> -> memref<1x128xi32, #tpu.memory_space<vmem>>
          %dma_start3A_82 = tpu.memref_squeeze %dma_start3A_81 : memref<1x128xi32, #tpu.memory_space<vmem>> -> memref<128xi32, #tpu.memory_space<vmem>>
          %dma_start3A_83 = arith.constant 0 : i32
          %dma_start3A_84 = arith.constant 0 : i32
          %dma_start3A_85 = tpu.memref_slice %arg3[%dma_start3A_83, %dma_start3A_84] : memref<10000x128xf32, #tpu.memory_space<hbm>> -> memref<10000x128xf32, #tpu.memory_space<hbm>>
          tpu.enqueue_indirect_dma source(%dma_start3A_85 : memref<10000x128xf32, #tpu.memory_space<hbm>>) target(%arg13 : memref<128x128xf32, #tpu.memory_space<vmem>>) offsets(%dma_start3A_82 : memref<128xi32, #tpu.memory_space<vmem>>) semaphore(%arg16 : memref<!tpu.dma_semaphore, #tpu.memory_space<semaphore_mem>>)
          %add3A_86 = arith.constant 1 : i32
          %add3A_87 = arith.addi %add3A_63, %add3A_86 : i32
          %dma_wait3A_88 = arith.constant 0 : i32
          %dma_wait3A_89 = tpu.memref_slice %arg11[%add3A_87, %dma_wait3A_88] : memref<40x128xi32, #tpu.memory_space<vmem>> -> memref<1x128xi32, #tpu.memory_space<vmem>>
          %dma_wait3A_90 = tpu.memref_squeeze %dma_wait3A_89 : memref<1x128xi32, #tpu.memory_space<vmem>> -> memref<128xi32, #tpu.memory_space<vmem>>
          %dma_wait3A_91 = arith.constant 0 : i32
          %dma_wait3A_92 = arith.constant 0 : i32
          %dma_wait3A_93 = tpu.memref_slice %arg3[%dma_wait3A_91, %dma_wait3A_92] : memref<10000x128xf32, #tpu.memory_space<hbm>> -> memref<10000x128xf32, #tpu.memory_space<hbm>>
          tpu.wait_indirect_dma semaphore(%arg17 : memref<!tpu.dma_semaphore, #tpu.memory_space<semaphore_mem>>) src(%dma_wait3A_93 : memref<10000x128xf32, #tpu.memory_space<hbm>>) dst(%arg14 : memref<128x128xf32, #tpu.memory_space<vmem>>)
          %add3A_94 = arith.constant 1 : i32
          %add3A_95 = arith.addi %add3A_63, %add3A_94 : i32
          "tpu.region"() ({
            %run_scoped3A_96 = tpu.sem_alloc : memref<!tpu.dma_semaphore, #tpu.memory_space<semaphore_mem>>
            %dma_start3A_97 = arith.constant 0 : i32
            %dma_start3A_98 = tpu.memref_slice %arg12[%add3A_95, %dma_start3A_97] : memref<40x128xi32, #tpu.memory_space<vmem>> -> memref<1x128xi32, #tpu.memory_space<vmem>>
            %dma_start3A_99 = tpu.memref_squeeze %dma_start3A_98 : memref<1x128xi32, #tpu.memory_space<vmem>> -> memref<128xi32, #tpu.memory_space<vmem>>
            %dma_start3A_100 = arith.constant 0 : i32
            %dma_start3A_101 = arith.constant 0 : i32
            %dma_start3A_102 = tpu.memref_slice %arg15[%dma_start3A_100, %dma_start3A_101] : memref<10240x128xf32, #tpu.memory_space<vmem_shared>> -> memref<10240x128xf32, #tpu.memory_space<vmem_shared>>
            tpu.enqueue_indirect_dma source(%arg14 : memref<128x128xf32, #tpu.memory_space<vmem>>) target(%dma_start3A_102 : memref<10240x128xf32, #tpu.memory_space<vmem_shared>>) offsets(%dma_start3A_99 : memref<128xi32, #tpu.memory_space<vmem>>) semaphore(%run_scoped3A_96 : memref<!tpu.dma_semaphore, #tpu.memory_space<semaphore_mem>>) {add = true}
            %dma_wait3A_103 = arith.constant 0 : i32
            %dma_wait3A_104 = tpu.memref_slice %arg12[%add3A_95, %dma_wait3A_103] : memref<40x128xi32, #tpu.memory_space<vmem>> -> memref<1x128xi32, #tpu.memory_space<vmem>>
            %dma_wait3A_105 = tpu.memref_squeeze %dma_wait3A_104 : memref<1x128xi32, #tpu.memory_space<vmem>> -> memref<128xi32, #tpu.memory_space<vmem>>
            %dma_wait3A_106 = arith.constant 0 : i32
            %dma_wait3A_107 = arith.constant 0 : i32
            %dma_wait3A_108 = tpu.memref_slice %arg15[%dma_wait3A_106, %dma_wait3A_107] : memref<10240x128xf32, #tpu.memory_space<vmem_shared>> -> memref<10240x128xf32, #tpu.memory_space<vmem_shared>>
            tpu.wait_indirect_dma semaphore(%run_scoped3A_96 : memref<!tpu.dma_semaphore, #tpu.memory_space<semaphore_mem>>) src(%arg14 : memref<128x128xf32, #tpu.memory_space<vmem>>) dst(%dma_wait3A_108 : memref<10240x128xf32, #tpu.memory_space<vmem_shared>>)
            tpu.yield
          }) : () -> ()
        }
        %scan3A_37 = arith.constant 19 : i32
        %dma_start3A_38 = arith.constant 39 : i32
        %dma_start3A_39 = arith.constant 0 : i32
        %dma_start3A_40 = tpu.memref_slice %arg11[%dma_start3A_38, %dma_start3A_39] : memref<40x128xi32, #tpu.memory_space<vmem>> -> memref<1x128xi32, #tpu.memory_space<vmem>>
        %dma_start3A_41 = tpu.memref_squeeze %dma_start3A_40 : memref<1x128xi32, #tpu.memory_space<vmem>> -> memref<128xi32, #tpu.memory_space<vmem>>
        %dma_start3A_42 = arith.constant 0 : i32
        %dma_start3A_43 = arith.constant 0 : i32
        %dma_start3A_44 = tpu.memref_slice %arg3[%dma_start3A_42, %dma_start3A_43] : memref<10000x128xf32, #tpu.memory_space<hbm>> -> memref<10000x128xf32, #tpu.memory_space<hbm>>
        tpu.enqueue_indirect_dma source(%dma_start3A_44 : memref<10000x128xf32, #tpu.memory_space<hbm>>) target(%arg14 : memref<128x128xf32, #tpu.memory_space<vmem>>) offsets(%dma_start3A_41 : memref<128xi32, #tpu.memory_space<vmem>>) semaphore(%arg17 : memref<!tpu.dma_semaphore, #tpu.memory_space<semaphore_mem>>)
        %dma_wait3A = arith.constant 38 : i32
        %dma_wait3A_45 = arith.constant 0 : i32
        %dma_wait3A_46 = tpu.memref_slice %arg11[%dma_wait3A, %dma_wait3A_45] : memref<40x128xi32, #tpu.memory_space<vmem>> -> memref<1x128xi32, #tpu.memory_space<vmem>>
        %dma_wait3A_47 = tpu.memref_squeeze %dma_wait3A_46 : memref<1x128xi32, #tpu.memory_space<vmem>> -> memref<128xi32, #tpu.memory_space<vmem>>
        %dma_wait3A_48 = arith.constant 0 : i32
        %dma_wait3A_49 = arith.constant 0 : i32
        %dma_wait3A_50 = tpu.memref_slice %arg3[%dma_wait3A_48, %dma_wait3A_49] : memref<10000x128xf32, #tpu.memory_space<hbm>> -> memref<10000x128xf32, #tpu.memory_space<hbm>>
        tpu.wait_indirect_dma semaphore(%arg16 : memref<!tpu.dma_semaphore, #tpu.memory_space<semaphore_mem>>) src(%dma_wait3A_50 : memref<10000x128xf32, #tpu.memory_space<hbm>>) dst(%arg13 : memref<128x128xf32, #tpu.memory_space<vmem>>)
        %run_scoped3A = arith.constant 38 : i32
        "tpu.region"() ({
          %run_scoped3A_59 = tpu.sem_alloc : memref<!tpu.dma_semaphore, #tpu.memory_space<semaphore_mem>>
          %dma_start3A_60 = arith.constant 0 : i32
          %dma_start3A_61 = tpu.memref_slice %arg12[%run_scoped3A, %dma_start3A_60] : memref<40x128xi32, #tpu.memory_space<vmem>> -> memref<1x128xi32, #tpu.memory_space<vmem>>
          %dma_start3A_62 = tpu.memref_squeeze %dma_start3A_61 : memref<1x128xi32, #tpu.memory_space<vmem>> -> memref<128xi32, #tpu.memory_space<vmem>>
          %dma_start3A_63 = arith.constant 0 : i32
          %dma_start3A_64 = arith.constant 0 : i32
          %dma_start3A_65 = tpu.memref_slice %arg15[%dma_start3A_63, %dma_start3A_64] : memref<10240x128xf32, #tpu.memory_space<vmem_shared>> -> memref<10240x128xf32, #tpu.memory_space<vmem_shared>>
          tpu.enqueue_indirect_dma source(%arg13 : memref<128x128xf32, #tpu.memory_space<vmem>>) target(%dma_start3A_65 : memref<10240x128xf32, #tpu.memory_space<vmem_shared>>) offsets(%dma_start3A_62 : memref<128xi32, #tpu.memory_space<vmem>>) semaphore(%run_scoped3A_59 : memref<!tpu.dma_semaphore, #tpu.memory_space<semaphore_mem>>) {add = true}
          %dma_wait3A_66 = arith.constant 0 : i32
          %dma_wait3A_67 = tpu.memref_slice %arg12[%run_scoped3A, %dma_wait3A_66] : memref<40x128xi32, #tpu.memory_space<vmem>> -> memref<1x128xi32, #tpu.memory_space<vmem>>
          %dma_wait3A_68 = tpu.memref_squeeze %dma_wait3A_67 : memref<1x128xi32, #tpu.memory_space<vmem>> -> memref<128xi32, #tpu.memory_space<vmem>>
          %dma_wait3A_69 = arith.constant 0 : i32
          %dma_wait3A_70 = arith.constant 0 : i32
          %dma_wait3A_71 = tpu.memref_slice %arg15[%dma_wait3A_69, %dma_wait3A_70] : memref<10240x128xf32, #tpu.memory_space<vmem_shared>> -> memref<10240x128xf32, #tpu.memory_space<vmem_shared>>
          tpu.wait_indirect_dma semaphore(%run_scoped3A_59 : memref<!tpu.dma_semaphore, #tpu.memory_space<semaphore_mem>>) src(%arg13 : memref<128x128xf32, #tpu.memory_space<vmem>>) dst(%dma_wait3A_71 : memref<10240x128xf32, #tpu.memory_space<vmem_shared>>)
          tpu.yield
        }) : () -> ()
        %dma_wait3A_51 = arith.constant 39 : i32
        %dma_wait3A_52 = arith.constant 0 : i32
        %dma_wait3A_53 = tpu.memref_slice %arg11[%dma_wait3A_51, %dma_wait3A_52] : memref<40x128xi32, #tpu.memory_space<vmem>> -> memref<1x128xi32, #tpu.memory_space<vmem>>
        %dma_wait3A_54 = tpu.memref_squeeze %dma_wait3A_53 : memref<1x128xi32, #tpu.memory_space<vmem>> -> memref<128xi32, #tpu.memory_space<vmem>>
        %dma_wait3A_55 = arith.constant 0 : i32
        %dma_wait3A_56 = arith.constant 0 : i32
        %dma_wait3A_57 = tpu.memref_slice %arg3[%dma_wait3A_55, %dma_wait3A_56] : memref<10000x128xf32, #tpu.memory_space<hbm>> -> memref<10000x128xf32, #tpu.memory_space<hbm>>
        tpu.wait_indirect_dma semaphore(%arg17 : memref<!tpu.dma_semaphore, #tpu.memory_space<semaphore_mem>>) src(%dma_wait3A_57 : memref<10000x128xf32, #tpu.memory_space<hbm>>) dst(%arg14 : memref<128x128xf32, #tpu.memory_space<vmem>>)
        %run_scoped3A_58 = arith.constant 39 : i32
        "tpu.region"() ({
          %run_scoped3A_59 = tpu.sem_alloc : memref<!tpu.dma_semaphore, #tpu.memory_space<semaphore_mem>>
          %dma_start3A_60 = arith.constant 0 : i32
          %dma_start3A_61 = tpu.memref_slice %arg12[%run_scoped3A_58, %dma_start3A_60] : memref<40x128xi32, #tpu.memory_space<vmem>> -> memref<1x128xi32, #tpu.memory_space<vmem>>
          %dma_start3A_62 = tpu.memref_squeeze %dma_start3A_61 : memref<1x128xi32, #tpu.memory_space<vmem>> -> memref<128xi32, #tpu.memory_space<vmem>>
          %dma_start3A_63 = arith.constant 0 : i32
          %dma_start3A_64 = arith.constant 0 : i32
          %dma_start3A_65 = tpu.memref_slice %arg15[%dma_start3A_63, %dma_start3A_64] : memref<10240x128xf32, #tpu.memory_space<vmem_shared>> -> memref<10240x128xf32, #tpu.memory_space<vmem_shared>>
          tpu.enqueue_indirect_dma source(%arg14 : memref<128x128xf32, #tpu.memory_space<vmem>>) target(%dma_start3A_65 : memref<10240x128xf32, #tpu.memory_space<vmem_shared>>) offsets(%dma_start3A_62 : memref<128xi32, #tpu.memory_space<vmem>>) semaphore(%run_scoped3A_59 : memref<!tpu.dma_semaphore, #tpu.memory_space<semaphore_mem>>) {add = true}
          %dma_wait3A_66 = arith.constant 0 : i32
          %dma_wait3A_67 = tpu.memref_slice %arg12[%run_scoped3A_58, %dma_wait3A_66] : memref<40x128xi32, #tpu.memory_space<vmem>> -> memref<1x128xi32, #tpu.memory_space<vmem>>
          %dma_wait3A_68 = tpu.memref_squeeze %dma_wait3A_67 : memref<1x128xi32, #tpu.memory_space<vmem>> -> memref<128xi32, #tpu.memory_space<vmem>>
          %dma_wait3A_69 = arith.constant 0 : i32
          %dma_wait3A_70 = arith.constant 0 : i32
          %dma_wait3A_71 = tpu.memref_slice %arg15[%dma_wait3A_69, %dma_wait3A_70] : memref<10240x128xf32, #tpu.memory_space<vmem_shared>> -> memref<10240x128xf32, #tpu.memory_space<vmem_shared>>
          tpu.wait_indirect_dma semaphore(%run_scoped3A_59 : memref<!tpu.dma_semaphore, #tpu.memory_space<semaphore_mem>>) src(%arg14 : memref<128x128xf32, #tpu.memory_space<vmem>>) dst(%dma_wait3A_71 : memref<10240x128xf32, #tpu.memory_space<vmem_shared>>)
          tpu.yield
        }) : () -> ()
      }
      %scan3A_22 = arith.constant 4 : i32
    } else {
    }
    %barrier3A_8 = arith.constant 0 : index
    tpu.barrier barrier_id(%barrier3A_8)
    %eq3A_9 = arith.constant 0 : i32
    %eq3A_10 = arith.cmpi eq, %arg0, %eq3A_9 : i32
    %convert_element_type3A_11 = arith.extui %eq3A_10 : i1 to i32
    %cond3A_12 = arith.constant 0 : i32
    %cond3A_13 = arith.cmpi ne, %convert_element_type3A_11, %cond3A_12 : i32
    scf.if %cond3A_13 {
      %mul3A_19 = arith.constant 640 : i32
      %mul3A_20 = arith.muli %arg1, %mul3A_19 : i32
      %mul3A_21 = arith.constant 640 : i32
      %mul3A_22 = arith.muli %arg1, %mul3A_21 : i32
      "tpu.region"() ({
        %run_scoped3A = tpu.sem_alloc : memref<!tpu.dma_semaphore, #tpu.memory_space<semaphore_mem>>
        %dma_start3A = arith.constant 0 : i32
        %dma_start3A_23 = tpu.memref_slice %arg9[%mul3A_22, %dma_start3A] : memref<10240x128xf32, #tpu.memory_space<hbm>> -> memref<640x128xf32, #tpu.memory_space<hbm>>
        %dma_start3A_24 = arith.constant 0 : i32
        %dma_start3A_25 = tpu.memref_slice %arg15[%mul3A_20, %dma_start3A_24] : memref<10240x128xf32, #tpu.memory_space<vmem_shared>> -> memref<640x128xf32, #tpu.memory_space<vmem_shared>>
        tpu.enqueue_dma source(%dma_start3A_25 : memref<640x128xf32, #tpu.memory_space<vmem_shared>>) target(%dma_start3A_23 : memref<640x128xf32, #tpu.memory_space<hbm>>) target_semaphore(%run_scoped3A : memref<!tpu.dma_semaphore, #tpu.memory_space<semaphore_mem>>)
        %dma_wait3A = arith.constant 0 : i32
        %dma_wait3A_26 = tpu.memref_slice %arg9[%mul3A_22, %dma_wait3A] : memref<10240x128xf32, #tpu.memory_space<hbm>> -> memref<640x128xf32, #tpu.memory_space<hbm>>
        %dma_wait3A_27 = arith.constant 0 : i32
        %dma_wait3A_28 = tpu.memref_slice %arg15[%mul3A_20, %dma_wait3A_27] : memref<10240x128xf32, #tpu.memory_space<vmem_shared>> -> memref<640x128xf32, #tpu.memory_space<vmem_shared>>
        tpu.wait_dma2 semaphore(%run_scoped3A : memref<!tpu.dma_semaphore, #tpu.memory_space<semaphore_mem>>) src(%dma_wait3A_28 : memref<640x128xf32, #tpu.memory_space<vmem_shared>>) dst(%dma_wait3A_26 : memref<640x128xf32, #tpu.memory_space<hbm>>)
        tpu.yield
      }) : () -> ()
    } else {
    }
    %eq3A_14 = arith.constant 1 : i32
    %eq3A_15 = arith.cmpi eq, %arg0, %eq3A_14 : i32
    %convert_element_type3A_16 = arith.extui %eq3A_15 : i1 to i32
    %cond3A_17 = arith.constant 0 : i32
    %cond3A_18 = arith.cmpi ne, %convert_element_type3A_16, %cond3A_17 : i32
    scf.if %cond3A_18 {
      %mul3A_19 = arith.constant 640 : i32
      %mul3A_20 = arith.muli %arg1, %mul3A_19 : i32
      %mul3A_21 = arith.constant 640 : i32
      %mul3A_22 = arith.muli %arg1, %mul3A_21 : i32
      "tpu.region"() ({
        %run_scoped3A = tpu.sem_alloc : memref<!tpu.dma_semaphore, #tpu.memory_space<semaphore_mem>>
        %dma_start3A = arith.constant 0 : i32
        %dma_start3A_23 = tpu.memref_slice %arg10[%mul3A_22, %dma_start3A] : memref<10240x128xf32, #tpu.memory_space<hbm>> -> memref<640x128xf32, #tpu.memory_space<hbm>>
        %dma_start3A_24 = arith.constant 0 : i32
        %dma_start3A_25 = tpu.memref_slice %arg15[%mul3A_20, %dma_start3A_24] : memref<10240x128xf32, #tpu.memory_space<vmem_shared>> -> memref<640x128xf32, #tpu.memory_space<vmem_shared>>
        tpu.enqueue_dma source(%dma_start3A_25 : memref<640x128xf32, #tpu.memory_space<vmem_shared>>) target(%dma_start3A_23 : memref<640x128xf32, #tpu.memory_space<hbm>>) target_semaphore(%run_scoped3A : memref<!tpu.dma_semaphore, #tpu.memory_space<semaphore_mem>>)
        %dma_wait3A = arith.constant 0 : i32
        %dma_wait3A_26 = tpu.memref_slice %arg10[%mul3A_22, %dma_wait3A] : memref<10240x128xf32, #tpu.memory_space<hbm>> -> memref<640x128xf32, #tpu.memory_space<hbm>>
        %dma_wait3A_27 = arith.constant 0 : i32
        %dma_wait3A_28 = tpu.memref_slice %arg15[%mul3A_20, %dma_wait3A_27] : memref<10240x128xf32, #tpu.memory_space<vmem_shared>> -> memref<640x128xf32, #tpu.memory_space<vmem_shared>>
        tpu.wait_dma2 semaphore(%run_scoped3A : memref<!tpu.dma_semaphore, #tpu.memory_space<semaphore_mem>>) src(%dma_wait3A_28 : memref<640x128xf32, #tpu.memory_space<vmem_shared>>) dst(%dma_wait3A_26 : memref<640x128xf32, #tpu.memory_space<hbm>>)
        tpu.yield
      }) : () -> ()
    } else {
    }
    return
  }
}

#map = affine_map<(d0, d1) -> (0, 0)>
#map1 = affine_map<(d0, d1) -> (0, 0, 0, 0)>
module attributes {stable_mosaic.version = 14 : i64} {
  func.func @k(%arg0: i32, %arg1: i32, %arg2: memref<10000x128xf32, #tpu.memory_space<hbm>>, %arg3: memref<10000x128xf32, #tpu.memory_space<hbm>>, %arg4: memref<16x4x40x128xi32, #tpu.memory_space<hbm>>, %arg5: memref<16x4x40x128xi32, #tpu.memory_space<hbm>>, %arg6: memref<16x4x40x128xi32, #tpu.memory_space<hbm>>, %arg7: memref<16x4x40x128xi32, #tpu.memory_space<hbm>>, %arg8: memref<640x128xf32, #tpu.memory_space<hbm>>, %arg9: memref<10240x128xf32, #tpu.memory_space<hbm>>, %arg10: memref<10240x128xf32, #tpu.memory_space<hbm>>, %arg11: memref<40x128xi32, #tpu.memory_space<vmem>>, %arg12: memref<40x128xi32, #tpu.memory_space<vmem>>, %arg13: memref<128x128xf32, #tpu.memory_space<vmem>>, %arg14: memref<128x128xf32, #tpu.memory_space<vmem>>, %arg15: memref<10240x128xf32, #tpu.memory_space<vmem_shared>>, %arg16: memref<!tpu.dma_semaphore, #tpu.memory_space<semaphore_mem>>, %arg17: memref<!tpu.dma_semaphore, #tpu.memory_space<semaphore_mem>>) attributes {dimension_semantics = [#tpu.dimension_semantics<core_parallel>, #tpu.dimension_semantics<subcore_parallel>], iteration_bounds = array<i64: 2, 16>, scalar_prefetch = 0 : i64, scratch_operands = 7 : i64, tpu.core_type = #tpu.core_type<sc_vector_subcore>, window_params = [{transform_indices = #map}, {transform_indices = #map}, {transform_indices = #map1}, {transform_indices = #map1}, {transform_indices = #map1}, {transform_indices = #map1}, {transform_indices = #map}, {transform_indices = #map}, {transform_indices = #map}]} {
    %mul3A = arith.constant 640 : i32
    %mul3A_0 = arith.muli %arg1, %mul3A : i32
    "tpu.region"() ({
      %run_scoped3A = tpu.sem_alloc : memref<!tpu.dma_semaphore, #tpu.memory_space<semaphore_mem>>
      %dma_start3A = arith.constant 0 : i32
      %dma_start3A_19 = tpu.memref_slice %arg15[%mul3A_0, %dma_start3A] : memref<10240x128xf32, #tpu.memory_space<vmem_shared>> -> memref<640x128xf32, #tpu.memory_space<vmem_shared>>
      tpu.enqueue_dma source(%arg8 : memref<640x128xf32, #tpu.memory_space<hbm>>) target(%dma_start3A_19 : memref<640x128xf32, #tpu.memory_space<vmem_shared>>) target_semaphore(%run_scoped3A : memref<!tpu.dma_semaphore, #tpu.memory_space<semaphore_mem>>)
      %dma_wait3A = arith.constant 0 : i32
      %dma_wait3A_20 = tpu.memref_slice %arg15[%mul3A_0, %dma_wait3A] : memref<10240x128xf32, #tpu.memory_space<vmem_shared>> -> memref<640x128xf32, #tpu.memory_space<vmem_shared>>
      tpu.wait_dma2 semaphore(%run_scoped3A : memref<!tpu.dma_semaphore, #tpu.memory_space<semaphore_mem>>) src(%arg8 : memref<640x128xf32, #tpu.memory_space<hbm>>) dst(%dma_wait3A_20 : memref<640x128xf32, #tpu.memory_space<vmem_shared>>)
      tpu.yield
    }) : () -> ()
    %barrier3A = arith.constant 0 : index
    tpu.barrier barrier_id(%barrier3A)
    %eq3A = arith.constant 0 : i32
    %eq3A_1 = arith.cmpi eq, %arg0, %eq3A : i32
    %convert_element_type3A = arith.extui %eq3A_1 : i1 to i32
    %cond3A = arith.constant 0 : i32
    %cond3A_2 = arith.cmpi ne, %convert_element_type3A, %cond3A : i32
    scf.if %cond3A_2 {
      %scan3A = arith.constant 0 : i32
      %scan3A_19 = arith.constant 4 : i32
      %scan3A_20 = arith.addi %scan3A, %scan3A_19 : i32
      %scan3A_21 = arith.constant 1 : i32
      scf.for %scan3A_23 = %scan3A to %scan3A_20 step %scan3A_21  : i32 {
        %mul3A_24 = arith.constant 1 : i32
        %mul3A_25 = arith.muli %scan3A_23, %mul3A_24 : i32
        %add3A = arith.constant 0 : i32
        %add3A_26 = arith.addi %add3A, %mul3A_25 : i32
        "tpu.region"() ({
          %run_scoped3A_59 = tpu.sem_alloc : memref<!tpu.dma_semaphore, #tpu.memory_space<semaphore_mem>>
          %dma_start3A_60 = arith.constant 0 : i32
          %dma_start3A_61 = arith.constant 0 : i32
          %dma_start3A_62 = tpu.memref_slice %arg4[%arg1, %add3A_26, %dma_start3A_60, %dma_start3A_61] : memref<16x4x40x128xi32, #tpu.memory_space<hbm>> -> memref<1x1x40x128xi32, #tpu.memory_space<hbm>>
          %dma_start3A_63 = tpu.memref_squeeze %dma_start3A_62 : memref<1x1x40x128xi32, #tpu.memory_space<hbm>> -> memref<40x128xi32, #tpu.memory_space<hbm>>
          %dma_start3A_64 = arith.constant 0 : i32
          %dma_start3A_65 = arith.constant 0 : i32
          %dma_start3A_66 = tpu.memref_slice %arg4[%arg1, %add3A_26, %dma_start3A_64, %dma_start3A_65] : memref<16x4x40x128xi32, #tpu.memory_space<hbm>> -> memref<1x1x40x128xi32, #tpu.memory_space<hbm>>
          %dma_start3A_67 = tpu.memref_squeeze %dma_start3A_66 : memref<1x1x40x128xi32, #tpu.memory_space<hbm>> -> memref<40x128xi32, #tpu.memory_space<hbm>>
          tpu.enqueue_dma source(%dma_start3A_67 : memref<40x128xi32, #tpu.memory_space<hbm>>) target(%arg11 : memref<40x128xi32, #tpu.memory_space<vmem>>) target_semaphore(%run_scoped3A_59 : memref<!tpu.dma_semaphore, #tpu.memory_space<semaphore_mem>>)
          %dma_wait3A_68 = arith.constant 0 : i32
          %dma_wait3A_69 = arith.constant 0 : i32
          %dma_wait3A_70 = tpu.memref_slice %arg4[%arg1, %add3A_26, %dma_wait3A_68, %dma_wait3A_69] : memref<16x4x40x128xi32, #tpu.memory_space<hbm>> -> memref<1x1x40x128xi32, #tpu.memory_space<hbm>>
          %dma_wait3A_71 = tpu.memref_squeeze %dma_wait3A_70 : memref<1x1x40x128xi32, #tpu.memory_space<hbm>> -> memref<40x128xi32, #tpu.memory_space<hbm>>
          %dma_wait3A_72 = arith.constant 0 : i32
          %dma_wait3A_73 = arith.constant 0 : i32
          %dma_wait3A_74 = tpu.memref_slice %arg4[%arg1, %add3A_26, %dma_wait3A_72, %dma_wait3A_73] : memref<16x4x40x128xi32, #tpu.memory_space<hbm>> -> memref<1x1x40x128xi32, #tpu.memory_space<hbm>>
          %dma_wait3A_75 = tpu.memref_squeeze %dma_wait3A_74 : memref<1x1x40x128xi32, #tpu.memory_space<hbm>> -> memref<40x128xi32, #tpu.memory_space<hbm>>
          tpu.wait_dma2 semaphore(%run_scoped3A_59 : memref<!tpu.dma_semaphore, #tpu.memory_space<semaphore_mem>>) src(%dma_wait3A_75 : memref<40x128xi32, #tpu.memory_space<hbm>>) dst(%arg11 : memref<40x128xi32, #tpu.memory_space<vmem>>)
          tpu.yield
        }) : () -> ()
        "tpu.region"() ({
          %run_scoped3A_59 = tpu.sem_alloc : memref<!tpu.dma_semaphore, #tpu.memory_space<semaphore_mem>>
          %dma_start3A_60 = arith.constant 0 : i32
          %dma_start3A_61 = arith.constant 0 : i32
          %dma_start3A_62 = tpu.memref_slice %arg5[%arg1, %add3A_26, %dma_start3A_60, %dma_start3A_61] : memref<16x4x40x128xi32, #tpu.memory_space<hbm>> -> memref<1x1x40x128xi32, #tpu.memory_space<hbm>>
          %dma_start3A_63 = tpu.memref_squeeze %dma_start3A_62 : memref<1x1x40x128xi32, #tpu.memory_space<hbm>> -> memref<40x128xi32, #tpu.memory_space<hbm>>
          %dma_start3A_64 = arith.constant 0 : i32
          %dma_start3A_65 = arith.constant 0 : i32
          %dma_start3A_66 = tpu.memref_slice %arg5[%arg1, %add3A_26, %dma_start3A_64, %dma_start3A_65] : memref<16x4x40x128xi32, #tpu.memory_space<hbm>> -> memref<1x1x40x128xi32, #tpu.memory_space<hbm>>
          %dma_start3A_67 = tpu.memref_squeeze %dma_start3A_66 : memref<1x1x40x128xi32, #tpu.memory_space<hbm>> -> memref<40x128xi32, #tpu.memory_space<hbm>>
          tpu.enqueue_dma source(%dma_start3A_67 : memref<40x128xi32, #tpu.memory_space<hbm>>) target(%arg12 : memref<40x128xi32, #tpu.memory_space<vmem>>) target_semaphore(%run_scoped3A_59 : memref<!tpu.dma_semaphore, #tpu.memory_space<semaphore_mem>>)
          %dma_wait3A_68 = arith.constant 0 : i32
          %dma_wait3A_69 = arith.constant 0 : i32
          %dma_wait3A_70 = tpu.memref_slice %arg5[%arg1, %add3A_26, %dma_wait3A_68, %dma_wait3A_69] : memref<16x4x40x128xi32, #tpu.memory_space<hbm>> -> memref<1x1x40x128xi32, #tpu.memory_space<hbm>>
          %dma_wait3A_71 = tpu.memref_squeeze %dma_wait3A_70 : memref<1x1x40x128xi32, #tpu.memory_space<hbm>> -> memref<40x128xi32, #tpu.memory_space<hbm>>
          %dma_wait3A_72 = arith.constant 0 : i32
          %dma_wait3A_73 = arith.constant 0 : i32
          %dma_wait3A_74 = tpu.memref_slice %arg5[%arg1, %add3A_26, %dma_wait3A_72, %dma_wait3A_73] : memref<16x4x40x128xi32, #tpu.memory_space<hbm>> -> memref<1x1x40x128xi32, #tpu.memory_space<hbm>>
          %dma_wait3A_75 = tpu.memref_squeeze %dma_wait3A_74 : memref<1x1x40x128xi32, #tpu.memory_space<hbm>> -> memref<40x128xi32, #tpu.memory_space<hbm>>
          tpu.wait_dma2 semaphore(%run_scoped3A_59 : memref<!tpu.dma_semaphore, #tpu.memory_space<semaphore_mem>>) src(%dma_wait3A_75 : memref<40x128xi32, #tpu.memory_space<hbm>>) dst(%arg12 : memref<40x128xi32, #tpu.memory_space<vmem>>)
          tpu.yield
        }) : () -> ()
        %dma_start3A = arith.constant 0 : i32
        %dma_start3A_27 = arith.constant 0 : i32
        %dma_start3A_28 = tpu.memref_slice %arg11[%dma_start3A, %dma_start3A_27] : memref<40x128xi32, #tpu.memory_space<vmem>> -> memref<1x128xi32, #tpu.memory_space<vmem>>
        %dma_start3A_29 = tpu.memref_squeeze %dma_start3A_28 : memref<1x128xi32, #tpu.memory_space<vmem>> -> memref<128xi32, #tpu.memory_space<vmem>>
        %dma_start3A_30 = arith.constant 0 : i32
        %dma_start3A_31 = arith.constant 0 : i32
        %dma_start3A_32 = tpu.memref_slice %arg2[%dma_start3A_30, %dma_start3A_31] : memref<10000x128xf32, #tpu.memory_space<hbm>> -> memref<10000x128xf32, #tpu.memory_space<hbm>>
        tpu.enqueue_indirect_dma source(%dma_start3A_32 : memref<10000x128xf32, #tpu.memory_space<hbm>>) target(%arg13 : memref<128x128xf32, #tpu.memory_space<vmem>>) offsets(%dma_start3A_29 : memref<128xi32, #tpu.memory_space<vmem>>) semaphore(%arg16 : memref<!tpu.dma_semaphore, #tpu.memory_space<semaphore_mem>>)
        %scan3A_33 = arith.constant 0 : i32
        %scan3A_34 = arith.constant 19 : i32
        %scan3A_35 = arith.addi %scan3A_33, %scan3A_34 : i32
        %scan3A_36 = arith.constant 1 : i32
        scf.for %scan3A_59 = %scan3A_33 to %scan3A_35 step %scan3A_36  : i32 {
          %mul3A_60 = arith.constant 2 : i32
          %mul3A_61 = arith.muli %scan3A_59, %mul3A_60 : i32
          %add3A_62 = arith.constant 0 : i32
          %add3A_63 = arith.addi %add3A_62, %mul3A_61 : i32
          %add3A_64 = arith.constant 1 : i32
          %add3A_65 = arith.addi %add3A_63, %add3A_64 : i32
          %dma_start3A_66 = arith.constant 0 : i32
          %dma_start3A_67 = tpu.memref_slice %arg11[%add3A_65, %dma_start3A_66] : memref<40x128xi32, #tpu.memory_space<vmem>> -> memref<1x128xi32, #tpu.memory_space<vmem>>
          %dma_start3A_68 = tpu.memref_squeeze %dma_start3A_67 : memref<1x128xi32, #tpu.memory_space<vmem>> -> memref<128xi32, #tpu.memory_space<vmem>>
          %dma_start3A_69 = arith.constant 0 : i32
          %dma_start3A_70 = arith.constant 0 : i32
          %dma_start3A_71 = tpu.memref_slice %arg2[%dma_start3A_69, %dma_start3A_70] : memref<10000x128xf32, #tpu.memory_space<hbm>> -> memref<10000x128xf32, #tpu.memory_space<hbm>>
          tpu.enqueue_indirect_dma source(%dma_start3A_71 : memref<10000x128xf32, #tpu.memory_space<hbm>>) target(%arg14 : memref<128x128xf32, #tpu.memory_space<vmem>>) offsets(%dma_start3A_68 : memref<128xi32, #tpu.memory_space<vmem>>) semaphore(%arg17 : memref<!tpu.dma_semaphore, #tpu.memory_space<semaphore_mem>>)
          %dma_wait3A_72 = arith.constant 0 : i32
          %dma_wait3A_73 = tpu.memref_slice %arg11[%add3A_63, %dma_wait3A_72] : memref<40x128xi32, #tpu.memory_space<vmem>> -> memref<1x128xi32, #tpu.memory_space<vmem>>
          %dma_wait3A_74 = tpu.memref_squeeze %dma_wait3A_73 : memref<1x128xi32, #tpu.memory_space<vmem>> -> memref<128xi32, #tpu.memory_space<vmem>>
          %dma_wait3A_75 = arith.constant 0 : i32
          %dma_wait3A_76 = arith.constant 0 : i32
          %dma_wait3A_77 = tpu.memref_slice %arg2[%dma_wait3A_75, %dma_wait3A_76] : memref<10000x128xf32, #tpu.memory_space<hbm>> -> memref<10000x128xf32, #tpu.memory_space<hbm>>
          tpu.wait_indirect_dma semaphore(%arg16 : memref<!tpu.dma_semaphore, #tpu.memory_space<semaphore_mem>>) src(%dma_wait3A_77 : memref<10000x128xf32, #tpu.memory_space<hbm>>) dst(%arg13 : memref<128x128xf32, #tpu.memory_space<vmem>>)
          "tpu.region"() ({
            %run_scoped3A_96 = tpu.sem_alloc : memref<!tpu.dma_semaphore, #tpu.memory_space<semaphore_mem>>
            %dma_start3A_97 = arith.constant 0 : i32
            %dma_start3A_98 = tpu.memref_slice %arg12[%add3A_63, %dma_start3A_97] : memref<40x128xi32, #tpu.memory_space<vmem>> -> memref<1x128xi32, #tpu.memory_space<vmem>>
            %dma_start3A_99 = tpu.memref_squeeze %dma_start3A_98 : memref<1x128xi32, #tpu.memory_space<vmem>> -> memref<128xi32, #tpu.memory_space<vmem>>
            %dma_start3A_100 = arith.constant 0 : i32
            %dma_start3A_101 = arith.constant 0 : i32
            %dma_start3A_102 = tpu.memref_slice %arg15[%dma_start3A_100, %dma_start3A_101] : memref<10240x128xf32, #tpu.memory_space<vmem_shared>> -> memref<10240x128xf32, #tpu.memory_space<vmem_shared>>
            tpu.enqueue_indirect_dma source(%arg13 : memref<128x128xf32, #tpu.memory_space<vmem>>) target(%dma_start3A_102 : memref<10240x128xf32, #tpu.memory_space<vmem_shared>>) offsets(%dma_start3A_99 : memref<128xi32, #tpu.memory_space<vmem>>) semaphore(%run_scoped3A_96 : memref<!tpu.dma_semaphore, #tpu.memory_space<semaphore_mem>>) {add = true}
            %dma_wait3A_103 = arith.constant 0 : i32
            %dma_wait3A_104 = tpu.memref_slice %arg12[%add3A_63, %dma_wait3A_103] : memref<40x128xi32, #tpu.memory_space<vmem>> -> memref<1x128xi32, #tpu.memory_space<vmem>>
            %dma_wait3A_105 = tpu.memref_squeeze %dma_wait3A_104 : memref<1x128xi32, #tpu.memory_space<vmem>> -> memref<128xi32, #tpu.memory_space<vmem>>
            %dma_wait3A_106 = arith.constant 0 : i32
            %dma_wait3A_107 = arith.constant 0 : i32
            %dma_wait3A_108 = tpu.memref_slice %arg15[%dma_wait3A_106, %dma_wait3A_107] : memref<10240x128xf32, #tpu.memory_space<vmem_shared>> -> memref<10240x128xf32, #tpu.memory_space<vmem_shared>>
            tpu.wait_indirect_dma semaphore(%run_scoped3A_96 : memref<!tpu.dma_semaphore, #tpu.memory_space<semaphore_mem>>) src(%arg13 : memref<128x128xf32, #tpu.memory_space<vmem>>) dst(%dma_wait3A_108 : memref<10240x128xf32, #tpu.memory_space<vmem_shared>>)
            tpu.yield
          }) : () -> ()
          %add3A_78 = arith.constant 2 : i32
          %add3A_79 = arith.addi %add3A_63, %add3A_78 : i32
          %dma_start3A_80 = arith.constant 0 : i32
          %dma_start3A_81 = tpu.memref_slice %arg11[%add3A_79, %dma_start3A_80] : memref<40x128xi32, #tpu.memory_space<vmem>> -> memref<1x128xi32, #tpu.memory_space<vmem>>
          %dma_start3A_82 = tpu.memref_squeeze %dma_start3A_81 : memref<1x128xi32, #tpu.memory_space<vmem>> -> memref<128xi32, #tpu.memory_space<vmem>>
          %dma_start3A_83 = arith.constant 0 : i32
          %dma_start3A_84 = arith.constant 0 : i32
          %dma_start3A_85 = tpu.memref_slice %arg2[%dma_start3A_83, %dma_start3A_84] : memref<10000x128xf32, #tpu.memory_space<hbm>> -> memref<10000x128xf32, #tpu.memory_space<hbm>>
          tpu.enqueue_indirect_dma source(%dma_start3A_85 : memref<10000x128xf32, #tpu.memory_space<hbm>>) target(%arg13 : memref<128x128xf32, #tpu.memory_space<vmem>>) offsets(%dma_start3A_82 : memref<128xi32, #tpu.memory_space<vmem>>) semaphore(%arg16 : memref<!tpu.dma_semaphore, #tpu.memory_space<semaphore_mem>>)
          %add3A_86 = arith.constant 1 : i32
          %add3A_87 = arith.addi %add3A_63, %add3A_86 : i32
          %dma_wait3A_88 = arith.constant 0 : i32
          %dma_wait3A_89 = tpu.memref_slice %arg11[%add3A_87, %dma_wait3A_88] : memref<40x128xi32, #tpu.memory_space<vmem>> -> memref<1x128xi32, #tpu.memory_space<vmem>>
          %dma_wait3A_90 = tpu.memref_squeeze %dma_wait3A_89 : memref<1x128xi32, #tpu.memory_space<vmem>> -> memref<128xi32, #tpu.memory_space<vmem>>
          %dma_wait3A_91 = arith.constant 0 : i32
          %dma_wait3A_92 = arith.constant 0 : i32
          %dma_wait3A_93 = tpu.memref_slice %arg2[%dma_wait3A_91, %dma_wait3A_92] : memref<10000x128xf32, #tpu.memory_space<hbm>> -> memref<10000x128xf32, #tpu.memory_space<hbm>>
          tpu.wait_indirect_dma semaphore(%arg17 : memref<!tpu.dma_semaphore, #tpu.memory_space<semaphore_mem>>) src(%dma_wait3A_93 : memref<10000x128xf32, #tpu.memory_space<hbm>>) dst(%arg14 : memref<128x128xf32, #tpu.memory_space<vmem>>)
          %add3A_94 = arith.constant 1 : i32
          %add3A_95 = arith.addi %add3A_63, %add3A_94 : i32
          "tpu.region"() ({
            %run_scoped3A_96 = tpu.sem_alloc : memref<!tpu.dma_semaphore, #tpu.memory_space<semaphore_mem>>
            %dma_start3A_97 = arith.constant 0 : i32
            %dma_start3A_98 = tpu.memref_slice %arg12[%add3A_95, %dma_start3A_97] : memref<40x128xi32, #tpu.memory_space<vmem>> -> memref<1x128xi32, #tpu.memory_space<vmem>>
            %dma_start3A_99 = tpu.memref_squeeze %dma_start3A_98 : memref<1x128xi32, #tpu.memory_space<vmem>> -> memref<128xi32, #tpu.memory_space<vmem>>
            %dma_start3A_100 = arith.constant 0 : i32
            %dma_start3A_101 = arith.constant 0 : i32
            %dma_start3A_102 = tpu.memref_slice %arg15[%dma_start3A_100, %dma_start3A_101] : memref<10240x128xf32, #tpu.memory_space<vmem_shared>> -> memref<10240x128xf32, #tpu.memory_space<vmem_shared>>
            tpu.enqueue_indirect_dma source(%arg14 : memref<128x128xf32, #tpu.memory_space<vmem>>) target(%dma_start3A_102 : memref<10240x128xf32, #tpu.memory_space<vmem_shared>>) offsets(%dma_start3A_99 : memref<128xi32, #tpu.memory_space<vmem>>) semaphore(%run_scoped3A_96 : memref<!tpu.dma_semaphore, #tpu.memory_space<semaphore_mem>>) {add = true}
            %dma_wait3A_103 = arith.constant 0 : i32
            %dma_wait3A_104 = tpu.memref_slice %arg12[%add3A_95, %dma_wait3A_103] : memref<40x128xi32, #tpu.memory_space<vmem>> -> memref<1x128xi32, #tpu.memory_space<vmem>>
            %dma_wait3A_105 = tpu.memref_squeeze %dma_wait3A_104 : memref<1x128xi32, #tpu.memory_space<vmem>> -> memref<128xi32, #tpu.memory_space<vmem>>
            %dma_wait3A_106 = arith.constant 0 : i32
            %dma_wait3A_107 = arith.constant 0 : i32
            %dma_wait3A_108 = tpu.memref_slice %arg15[%dma_wait3A_106, %dma_wait3A_107] : memref<10240x128xf32, #tpu.memory_space<vmem_shared>> -> memref<10240x128xf32, #tpu.memory_space<vmem_shared>>
            tpu.wait_indirect_dma semaphore(%run_scoped3A_96 : memref<!tpu.dma_semaphore, #tpu.memory_space<semaphore_mem>>) src(%arg14 : memref<128x128xf32, #tpu.memory_space<vmem>>) dst(%dma_wait3A_108 : memref<10240x128xf32, #tpu.memory_space<vmem_shared>>)
            tpu.yield
          }) : () -> ()
        }
        %scan3A_37 = arith.constant 19 : i32
        %dma_start3A_38 = arith.constant 39 : i32
        %dma_start3A_39 = arith.constant 0 : i32
        %dma_start3A_40 = tpu.memref_slice %arg11[%dma_start3A_38, %dma_start3A_39] : memref<40x128xi32, #tpu.memory_space<vmem>> -> memref<1x128xi32, #tpu.memory_space<vmem>>
        %dma_start3A_41 = tpu.memref_squeeze %dma_start3A_40 : memref<1x128xi32, #tpu.memory_space<vmem>> -> memref<128xi32, #tpu.memory_space<vmem>>
        %dma_start3A_42 = arith.constant 0 : i32
        %dma_start3A_43 = arith.constant 0 : i32
        %dma_start3A_44 = tpu.memref_slice %arg2[%dma_start3A_42, %dma_start3A_43] : memref<10000x128xf32, #tpu.memory_space<hbm>> -> memref<10000x128xf32, #tpu.memory_space<hbm>>
        tpu.enqueue_indirect_dma source(%dma_start3A_44 : memref<10000x128xf32, #tpu.memory_space<hbm>>) target(%arg14 : memref<128x128xf32, #tpu.memory_space<vmem>>) offsets(%dma_start3A_41 : memref<128xi32, #tpu.memory_space<vmem>>) semaphore(%arg17 : memref<!tpu.dma_semaphore, #tpu.memory_space<semaphore_mem>>)
        %dma_wait3A = arith.constant 38 : i32
        %dma_wait3A_45 = arith.constant 0 : i32
        %dma_wait3A_46 = tpu.memref_slice %arg11[%dma_wait3A, %dma_wait3A_45] : memref<40x128xi32, #tpu.memory_space<vmem>> -> memref<1x128xi32, #tpu.memory_space<vmem>>
        %dma_wait3A_47 = tpu.memref_squeeze %dma_wait3A_46 : memref<1x128xi32, #tpu.memory_space<vmem>> -> memref<128xi32, #tpu.memory_space<vmem>>
        %dma_wait3A_48 = arith.constant 0 : i32
        %dma_wait3A_49 = arith.constant 0 : i32
        %dma_wait3A_50 = tpu.memref_slice %arg2[%dma_wait3A_48, %dma_wait3A_49] : memref<10000x128xf32, #tpu.memory_space<hbm>> -> memref<10000x128xf32, #tpu.memory_space<hbm>>
        tpu.wait_indirect_dma semaphore(%arg16 : memref<!tpu.dma_semaphore, #tpu.memory_space<semaphore_mem>>) src(%dma_wait3A_50 : memref<10000x128xf32, #tpu.memory_space<hbm>>) dst(%arg13 : memref<128x128xf32, #tpu.memory_space<vmem>>)
        %run_scoped3A = arith.constant 38 : i32
        "tpu.region"() ({
          %run_scoped3A_59 = tpu.sem_alloc : memref<!tpu.dma_semaphore, #tpu.memory_space<semaphore_mem>>
          %dma_start3A_60 = arith.constant 0 : i32
          %dma_start3A_61 = tpu.memref_slice %arg12[%run_scoped3A, %dma_start3A_60] : memref<40x128xi32, #tpu.memory_space<vmem>> -> memref<1x128xi32, #tpu.memory_space<vmem>>
          %dma_start3A_62 = tpu.memref_squeeze %dma_start3A_61 : memref<1x128xi32, #tpu.memory_space<vmem>> -> memref<128xi32, #tpu.memory_space<vmem>>
          %dma_start3A_63 = arith.constant 0 : i32
          %dma_start3A_64 = arith.constant 0 : i32
          %dma_start3A_65 = tpu.memref_slice %arg15[%dma_start3A_63, %dma_start3A_64] : memref<10240x128xf32, #tpu.memory_space<vmem_shared>> -> memref<10240x128xf32, #tpu.memory_space<vmem_shared>>
          tpu.enqueue_indirect_dma source(%arg13 : memref<128x128xf32, #tpu.memory_space<vmem>>) target(%dma_start3A_65 : memref<10240x128xf32, #tpu.memory_space<vmem_shared>>) offsets(%dma_start3A_62 : memref<128xi32, #tpu.memory_space<vmem>>) semaphore(%run_scoped3A_59 : memref<!tpu.dma_semaphore, #tpu.memory_space<semaphore_mem>>) {add = true}
          %dma_wait3A_66 = arith.constant 0 : i32
          %dma_wait3A_67 = tpu.memref_slice %arg12[%run_scoped3A, %dma_wait3A_66] : memref<40x128xi32, #tpu.memory_space<vmem>> -> memref<1x128xi32, #tpu.memory_space<vmem>>
          %dma_wait3A_68 = tpu.memref_squeeze %dma_wait3A_67 : memref<1x128xi32, #tpu.memory_space<vmem>> -> memref<128xi32, #tpu.memory_space<vmem>>
          %dma_wait3A_69 = arith.constant 0 : i32
          %dma_wait3A_70 = arith.constant 0 : i32
          %dma_wait3A_71 = tpu.memref_slice %arg15[%dma_wait3A_69, %dma_wait3A_70] : memref<10240x128xf32, #tpu.memory_space<vmem_shared>> -> memref<10240x128xf32, #tpu.memory_space<vmem_shared>>
          tpu.wait_indirect_dma semaphore(%run_scoped3A_59 : memref<!tpu.dma_semaphore, #tpu.memory_space<semaphore_mem>>) src(%arg13 : memref<128x128xf32, #tpu.memory_space<vmem>>) dst(%dma_wait3A_71 : memref<10240x128xf32, #tpu.memory_space<vmem_shared>>)
          tpu.yield
        }) : () -> ()
        %dma_wait3A_51 = arith.constant 39 : i32
        %dma_wait3A_52 = arith.constant 0 : i32
        %dma_wait3A_53 = tpu.memref_slice %arg11[%dma_wait3A_51, %dma_wait3A_52] : memref<40x128xi32, #tpu.memory_space<vmem>> -> memref<1x128xi32, #tpu.memory_space<vmem>>
        %dma_wait3A_54 = tpu.memref_squeeze %dma_wait3A_53 : memref<1x128xi32, #tpu.memory_space<vmem>> -> memref<128xi32, #tpu.memory_space<vmem>>
        %dma_wait3A_55 = arith.constant 0 : i32
        %dma_wait3A_56 = arith.constant 0 : i32
        %dma_wait3A_57 = tpu.memref_slice %arg2[%dma_wait3A_55, %dma_wait3A_56] : memref<10000x128xf32, #tpu.memory_space<hbm>> -> memref<10000x128xf32, #tpu.memory_space<hbm>>
        tpu.wait_indirect_dma semaphore(%arg17 : memref<!tpu.dma_semaphore, #tpu.memory_space<semaphore_mem>>) src(%dma_wait3A_57 : memref<10000x128xf32, #tpu.memory_space<hbm>>) dst(%arg14 : memref<128x128xf32, #tpu.memory_space<vmem>>)
        %run_scoped3A_58 = arith.constant 39 : i32
        "tpu.region"() ({
          %run_scoped3A_59 = tpu.sem_alloc : memref<!tpu.dma_semaphore, #tpu.memory_space<semaphore_mem>>
          %dma_start3A_60 = arith.constant 0 : i32
          %dma_start3A_61 = tpu.memref_slice %arg12[%run_scoped3A_58, %dma_start3A_60] : memref<40x128xi32, #tpu.memory_space<vmem>> -> memref<1x128xi32, #tpu.memory_space<vmem>>
          %dma_start3A_62 = tpu.memref_squeeze %dma_start3A_61 : memref<1x128xi32, #tpu.memory_space<vmem>> -> memref<128xi32, #tpu.memory_space<vmem>>
          %dma_start3A_63 = arith.constant 0 : i32
          %dma_start3A_64 = arith.constant 0 : i32
          %dma_start3A_65 = tpu.memref_slice %arg15[%dma_start3A_63, %dma_start3A_64] : memref<10240x128xf32, #tpu.memory_space<vmem_shared>> -> memref<10240x128xf32, #tpu.memory_space<vmem_shared>>
          tpu.enqueue_indirect_dma source(%arg14 : memref<128x128xf32, #tpu.memory_space<vmem>>) target(%dma_start3A_65 : memref<10240x128xf32, #tpu.memory_space<vmem_shared>>) offsets(%dma_start3A_62 : memref<128xi32, #tpu.memory_space<vmem>>) semaphore(%run_scoped3A_59 : memref<!tpu.dma_semaphore, #tpu.memory_space<semaphore_mem>>) {add = true}
          %dma_wait3A_66 = arith.constant 0 : i32
          %dma_wait3A_67 = tpu.memref_slice %arg12[%run_scoped3A_58, %dma_wait3A_66] : memref<40x128xi32, #tpu.memory_space<vmem>> -> memref<1x128xi32, #tpu.memory_space<vmem>>
          %dma_wait3A_68 = tpu.memref_squeeze %dma_wait3A_67 : memref<1x128xi32, #tpu.memory_space<vmem>> -> memref<128xi32, #tpu.memory_space<vmem>>
          %dma_wait3A_69 = arith.constant 0 : i32
          %dma_wait3A_70 = arith.constant 0 : i32
          %dma_wait3A_71 = tpu.memref_slice %arg15[%dma_wait3A_69, %dma_wait3A_70] : memref<10240x128xf32, #tpu.memory_space<vmem_shared>> -> memref<10240x128xf32, #tpu.memory_space<vmem_shared>>
          tpu.wait_indirect_dma semaphore(%run_scoped3A_59 : memref<!tpu.dma_semaphore, #tpu.memory_space<semaphore_mem>>) src(%arg14 : memref<128x128xf32, #tpu.memory_space<vmem>>) dst(%dma_wait3A_71 : memref<10240x128xf32, #tpu.memory_space<vmem_shared>>)
          tpu.yield
        }) : () -> ()
      }
      %scan3A_22 = arith.constant 4 : i32
    } else {
    }
    %eq3A_3 = arith.constant 1 : i32
    %eq3A_4 = arith.cmpi eq, %arg0, %eq3A_3 : i32
    %convert_element_type3A_5 = arith.extui %eq3A_4 : i1 to i32
    %cond3A_6 = arith.constant 0 : i32
    %cond3A_7 = arith.cmpi ne, %convert_element_type3A_5, %cond3A_6 : i32
    scf.if %cond3A_7 {
      %scan3A = arith.constant 0 : i32
      %scan3A_19 = arith.constant 4 : i32
      %scan3A_20 = arith.addi %scan3A, %scan3A_19 : i32
      %scan3A_21 = arith.constant 1 : i32
      scf.for %scan3A_23 = %scan3A to %scan3A_20 step %scan3A_21  : i32 {
        %mul3A_24 = arith.constant 1 : i32
        %mul3A_25 = arith.muli %scan3A_23, %mul3A_24 : i32
        %add3A = arith.constant 0 : i32
        %add3A_26 = arith.addi %add3A, %mul3A_25 : i32
        "tpu.region"() ({
          %run_scoped3A_59 = tpu.sem_alloc : memref<!tpu.dma_semaphore, #tpu.memory_space<semaphore_mem>>
          %dma_start3A_60 = arith.constant 0 : i32
          %dma_start3A_61 = arith.constant 0 : i32
          %dma_start3A_62 = tpu.memref_slice %arg6[%arg1, %add3A_26, %dma_start3A_60, %dma_start3A_61] : memref<16x4x40x128xi32, #tpu.memory_space<hbm>> -> memref<1x1x40x128xi32, #tpu.memory_space<hbm>>
          %dma_start3A_63 = tpu.memref_squeeze %dma_start3A_62 : memref<1x1x40x128xi32, #tpu.memory_space<hbm>> -> memref<40x128xi32, #tpu.memory_space<hbm>>
          %dma_start3A_64 = arith.constant 0 : i32
          %dma_start3A_65 = arith.constant 0 : i32
          %dma_start3A_66 = tpu.memref_slice %arg6[%arg1, %add3A_26, %dma_start3A_64, %dma_start3A_65] : memref<16x4x40x128xi32, #tpu.memory_space<hbm>> -> memref<1x1x40x128xi32, #tpu.memory_space<hbm>>
          %dma_start3A_67 = tpu.memref_squeeze %dma_start3A_66 : memref<1x1x40x128xi32, #tpu.memory_space<hbm>> -> memref<40x128xi32, #tpu.memory_space<hbm>>
          tpu.enqueue_dma source(%dma_start3A_67 : memref<40x128xi32, #tpu.memory_space<hbm>>) target(%arg11 : memref<40x128xi32, #tpu.memory_space<vmem>>) target_semaphore(%run_scoped3A_59 : memref<!tpu.dma_semaphore, #tpu.memory_space<semaphore_mem>>)
          %dma_wait3A_68 = arith.constant 0 : i32
          %dma_wait3A_69 = arith.constant 0 : i32
          %dma_wait3A_70 = tpu.memref_slice %arg6[%arg1, %add3A_26, %dma_wait3A_68, %dma_wait3A_69] : memref<16x4x40x128xi32, #tpu.memory_space<hbm>> -> memref<1x1x40x128xi32, #tpu.memory_space<hbm>>
          %dma_wait3A_71 = tpu.memref_squeeze %dma_wait3A_70 : memref<1x1x40x128xi32, #tpu.memory_space<hbm>> -> memref<40x128xi32, #tpu.memory_space<hbm>>
          %dma_wait3A_72 = arith.constant 0 : i32
          %dma_wait3A_73 = arith.constant 0 : i32
          %dma_wait3A_74 = tpu.memref_slice %arg6[%arg1, %add3A_26, %dma_wait3A_72, %dma_wait3A_73] : memref<16x4x40x128xi32, #tpu.memory_space<hbm>> -> memref<1x1x40x128xi32, #tpu.memory_space<hbm>>
          %dma_wait3A_75 = tpu.memref_squeeze %dma_wait3A_74 : memref<1x1x40x128xi32, #tpu.memory_space<hbm>> -> memref<40x128xi32, #tpu.memory_space<hbm>>
          tpu.wait_dma2 semaphore(%run_scoped3A_59 : memref<!tpu.dma_semaphore, #tpu.memory_space<semaphore_mem>>) src(%dma_wait3A_75 : memref<40x128xi32, #tpu.memory_space<hbm>>) dst(%arg11 : memref<40x128xi32, #tpu.memory_space<vmem>>)
          tpu.yield
        }) : () -> ()
        "tpu.region"() ({
          %run_scoped3A_59 = tpu.sem_alloc : memref<!tpu.dma_semaphore, #tpu.memory_space<semaphore_mem>>
          %dma_start3A_60 = arith.constant 0 : i32
          %dma_start3A_61 = arith.constant 0 : i32
          %dma_start3A_62 = tpu.memref_slice %arg7[%arg1, %add3A_26, %dma_start3A_60, %dma_start3A_61] : memref<16x4x40x128xi32, #tpu.memory_space<hbm>> -> memref<1x1x40x128xi32, #tpu.memory_space<hbm>>
          %dma_start3A_63 = tpu.memref_squeeze %dma_start3A_62 : memref<1x1x40x128xi32, #tpu.memory_space<hbm>> -> memref<40x128xi32, #tpu.memory_space<hbm>>
          %dma_start3A_64 = arith.constant 0 : i32
          %dma_start3A_65 = arith.constant 0 : i32
          %dma_start3A_66 = tpu.memref_slice %arg7[%arg1, %add3A_26, %dma_start3A_64, %dma_start3A_65] : memref<16x4x40x128xi32, #tpu.memory_space<hbm>> -> memref<1x1x40x128xi32, #tpu.memory_space<hbm>>
          %dma_start3A_67 = tpu.memref_squeeze %dma_start3A_66 : memref<1x1x40x128xi32, #tpu.memory_space<hbm>> -> memref<40x128xi32, #tpu.memory_space<hbm>>
          tpu.enqueue_dma source(%dma_start3A_67 : memref<40x128xi32, #tpu.memory_space<hbm>>) target(%arg12 : memref<40x128xi32, #tpu.memory_space<vmem>>) target_semaphore(%run_scoped3A_59 : memref<!tpu.dma_semaphore, #tpu.memory_space<semaphore_mem>>)
          %dma_wait3A_68 = arith.constant 0 : i32
          %dma_wait3A_69 = arith.constant 0 : i32
          %dma_wait3A_70 = tpu.memref_slice %arg7[%arg1, %add3A_26, %dma_wait3A_68, %dma_wait3A_69] : memref<16x4x40x128xi32, #tpu.memory_space<hbm>> -> memref<1x1x40x128xi32, #tpu.memory_space<hbm>>
          %dma_wait3A_71 = tpu.memref_squeeze %dma_wait3A_70 : memref<1x1x40x128xi32, #tpu.memory_space<hbm>> -> memref<40x128xi32, #tpu.memory_space<hbm>>
          %dma_wait3A_72 = arith.constant 0 : i32
          %dma_wait3A_73 = arith.constant 0 : i32
          %dma_wait3A_74 = tpu.memref_slice %arg7[%arg1, %add3A_26, %dma_wait3A_72, %dma_wait3A_73] : memref<16x4x40x128xi32, #tpu.memory_space<hbm>> -> memref<1x1x40x128xi32, #tpu.memory_space<hbm>>
          %dma_wait3A_75 = tpu.memref_squeeze %dma_wait3A_74 : memref<1x1x40x128xi32, #tpu.memory_space<hbm>> -> memref<40x128xi32, #tpu.memory_space<hbm>>
          tpu.wait_dma2 semaphore(%run_scoped3A_59 : memref<!tpu.dma_semaphore, #tpu.memory_space<semaphore_mem>>) src(%dma_wait3A_75 : memref<40x128xi32, #tpu.memory_space<hbm>>) dst(%arg12 : memref<40x128xi32, #tpu.memory_space<vmem>>)
          tpu.yield
        }) : () -> ()
        %dma_start3A = arith.constant 0 : i32
        %dma_start3A_27 = arith.constant 0 : i32
        %dma_start3A_28 = tpu.memref_slice %arg11[%dma_start3A, %dma_start3A_27] : memref<40x128xi32, #tpu.memory_space<vmem>> -> memref<1x128xi32, #tpu.memory_space<vmem>>
        %dma_start3A_29 = tpu.memref_squeeze %dma_start3A_28 : memref<1x128xi32, #tpu.memory_space<vmem>> -> memref<128xi32, #tpu.memory_space<vmem>>
        %dma_start3A_30 = arith.constant 0 : i32
        %dma_start3A_31 = arith.constant 0 : i32
        %dma_start3A_32 = tpu.memref_slice %arg3[%dma_start3A_30, %dma_start3A_31] : memref<10000x128xf32, #tpu.memory_space<hbm>> -> memref<10000x128xf32, #tpu.memory_space<hbm>>
        tpu.enqueue_indirect_dma source(%dma_start3A_32 : memref<10000x128xf32, #tpu.memory_space<hbm>>) target(%arg13 : memref<128x128xf32, #tpu.memory_space<vmem>>) offsets(%dma_start3A_29 : memref<128xi32, #tpu.memory_space<vmem>>) semaphore(%arg16 : memref<!tpu.dma_semaphore, #tpu.memory_space<semaphore_mem>>)
        %scan3A_33 = arith.constant 0 : i32
        %scan3A_34 = arith.constant 19 : i32
        %scan3A_35 = arith.addi %scan3A_33, %scan3A_34 : i32
        %scan3A_36 = arith.constant 1 : i32
        scf.for %scan3A_59 = %scan3A_33 to %scan3A_35 step %scan3A_36  : i32 {
          %mul3A_60 = arith.constant 2 : i32
          %mul3A_61 = arith.muli %scan3A_59, %mul3A_60 : i32
          %add3A_62 = arith.constant 0 : i32
          %add3A_63 = arith.addi %add3A_62, %mul3A_61 : i32
          %add3A_64 = arith.constant 1 : i32
          %add3A_65 = arith.addi %add3A_63, %add3A_64 : i32
          %dma_start3A_66 = arith.constant 0 : i32
          %dma_start3A_67 = tpu.memref_slice %arg11[%add3A_65, %dma_start3A_66] : memref<40x128xi32, #tpu.memory_space<vmem>> -> memref<1x128xi32, #tpu.memory_space<vmem>>
          %dma_start3A_68 = tpu.memref_squeeze %dma_start3A_67 : memref<1x128xi32, #tpu.memory_space<vmem>> -> memref<128xi32, #tpu.memory_space<vmem>>
          %dma_start3A_69 = arith.constant 0 : i32
          %dma_start3A_70 = arith.constant 0 : i32
          %dma_start3A_71 = tpu.memref_slice %arg3[%dma_start3A_69, %dma_start3A_70] : memref<10000x128xf32, #tpu.memory_space<hbm>> -> memref<10000x128xf32, #tpu.memory_space<hbm>>
          tpu.enqueue_indirect_dma source(%dma_start3A_71 : memref<10000x128xf32, #tpu.memory_space<hbm>>) target(%arg14 : memref<128x128xf32, #tpu.memory_space<vmem>>) offsets(%dma_start3A_68 : memref<128xi32, #tpu.memory_space<vmem>>) semaphore(%arg17 : memref<!tpu.dma_semaphore, #tpu.memory_space<semaphore_mem>>)
          %dma_wait3A_72 = arith.constant 0 : i32
          %dma_wait3A_73 = tpu.memref_slice %arg11[%add3A_63, %dma_wait3A_72] : memref<40x128xi32, #tpu.memory_space<vmem>> -> memref<1x128xi32, #tpu.memory_space<vmem>>
          %dma_wait3A_74 = tpu.memref_squeeze %dma_wait3A_73 : memref<1x128xi32, #tpu.memory_space<vmem>> -> memref<128xi32, #tpu.memory_space<vmem>>
          %dma_wait3A_75 = arith.constant 0 : i32
          %dma_wait3A_76 = arith.constant 0 : i32
          %dma_wait3A_77 = tpu.memref_slice %arg3[%dma_wait3A_75, %dma_wait3A_76] : memref<10000x128xf32, #tpu.memory_space<hbm>> -> memref<10000x128xf32, #tpu.memory_space<hbm>>
          tpu.wait_indirect_dma semaphore(%arg16 : memref<!tpu.dma_semaphore, #tpu.memory_space<semaphore_mem>>) src(%dma_wait3A_77 : memref<10000x128xf32, #tpu.memory_space<hbm>>) dst(%arg13 : memref<128x128xf32, #tpu.memory_space<vmem>>)
          "tpu.region"() ({
            %run_scoped3A_96 = tpu.sem_alloc : memref<!tpu.dma_semaphore, #tpu.memory_space<semaphore_mem>>
            %dma_start3A_97 = arith.constant 0 : i32
            %dma_start3A_98 = tpu.memref_slice %arg12[%add3A_63, %dma_start3A_97] : memref<40x128xi32, #tpu.memory_space<vmem>> -> memref<1x128xi32, #tpu.memory_space<vmem>>
            %dma_start3A_99 = tpu.memref_squeeze %dma_start3A_98 : memref<1x128xi32, #tpu.memory_space<vmem>> -> memref<128xi32, #tpu.memory_space<vmem>>
            %dma_start3A_100 = arith.constant 0 : i32
            %dma_start3A_101 = arith.constant 0 : i32
            %dma_start3A_102 = tpu.memref_slice %arg15[%dma_start3A_100, %dma_start3A_101] : memref<10240x128xf32, #tpu.memory_space<vmem_shared>> -> memref<10240x128xf32, #tpu.memory_space<vmem_shared>>
            tpu.enqueue_indirect_dma source(%arg13 : memref<128x128xf32, #tpu.memory_space<vmem>>) target(%dma_start3A_102 : memref<10240x128xf32, #tpu.memory_space<vmem_shared>>) offsets(%dma_start3A_99 : memref<128xi32, #tpu.memory_space<vmem>>) semaphore(%run_scoped3A_96 : memref<!tpu.dma_semaphore, #tpu.memory_space<semaphore_mem>>) {add = true}
            %dma_wait3A_103 = arith.constant 0 : i32
            %dma_wait3A_104 = tpu.memref_slice %arg12[%add3A_63, %dma_wait3A_103] : memref<40x128xi32, #tpu.memory_space<vmem>> -> memref<1x128xi32, #tpu.memory_space<vmem>>
            %dma_wait3A_105 = tpu.memref_squeeze %dma_wait3A_104 : memref<1x128xi32, #tpu.memory_space<vmem>> -> memref<128xi32, #tpu.memory_space<vmem>>
            %dma_wait3A_106 = arith.constant 0 : i32
            %dma_wait3A_107 = arith.constant 0 : i32
            %dma_wait3A_108 = tpu.memref_slice %arg15[%dma_wait3A_106, %dma_wait3A_107] : memref<10240x128xf32, #tpu.memory_space<vmem_shared>> -> memref<10240x128xf32, #tpu.memory_space<vmem_shared>>
            tpu.wait_indirect_dma semaphore(%run_scoped3A_96 : memref<!tpu.dma_semaphore, #tpu.memory_space<semaphore_mem>>) src(%arg13 : memref<128x128xf32, #tpu.memory_space<vmem>>) dst(%dma_wait3A_108 : memref<10240x128xf32, #tpu.memory_space<vmem_shared>>)
            tpu.yield
          }) : () -> ()
          %add3A_78 = arith.constant 2 : i32
          %add3A_79 = arith.addi %add3A_63, %add3A_78 : i32
          %dma_start3A_80 = arith.constant 0 : i32
          %dma_start3A_81 = tpu.memref_slice %arg11[%add3A_79, %dma_start3A_80] : memref<40x128xi32, #tpu.memory_space<vmem>> -> memref<1x128xi32, #tpu.memory_space<vmem>>
          %dma_start3A_82 = tpu.memref_squeeze %dma_start3A_81 : memref<1x128xi32, #tpu.memory_space<vmem>> -> memref<128xi32, #tpu.memory_space<vmem>>
          %dma_start3A_83 = arith.constant 0 : i32
          %dma_start3A_84 = arith.constant 0 : i32
          %dma_start3A_85 = tpu.memref_slice %arg3[%dma_start3A_83, %dma_start3A_84] : memref<10000x128xf32, #tpu.memory_space<hbm>> -> memref<10000x128xf32, #tpu.memory_space<hbm>>
          tpu.enqueue_indirect_dma source(%dma_start3A_85 : memref<10000x128xf32, #tpu.memory_space<hbm>>) target(%arg13 : memref<128x128xf32, #tpu.memory_space<vmem>>) offsets(%dma_start3A_82 : memref<128xi32, #tpu.memory_space<vmem>>) semaphore(%arg16 : memref<!tpu.dma_semaphore, #tpu.memory_space<semaphore_mem>>)
          %add3A_86 = arith.constant 1 : i32
          %add3A_87 = arith.addi %add3A_63, %add3A_86 : i32
          %dma_wait3A_88 = arith.constant 0 : i32
          %dma_wait3A_89 = tpu.memref_slice %arg11[%add3A_87, %dma_wait3A_88] : memref<40x128xi32, #tpu.memory_space<vmem>> -> memref<1x128xi32, #tpu.memory_space<vmem>>
          %dma_wait3A_90 = tpu.memref_squeeze %dma_wait3A_89 : memref<1x128xi32, #tpu.memory_space<vmem>> -> memref<128xi32, #tpu.memory_space<vmem>>
          %dma_wait3A_91 = arith.constant 0 : i32
          %dma_wait3A_92 = arith.constant 0 : i32
          %dma_wait3A_93 = tpu.memref_slice %arg3[%dma_wait3A_91, %dma_wait3A_92] : memref<10000x128xf32, #tpu.memory_space<hbm>> -> memref<10000x128xf32, #tpu.memory_space<hbm>>
          tpu.wait_indirect_dma semaphore(%arg17 : memref<!tpu.dma_semaphore, #tpu.memory_space<semaphore_mem>>) src(%dma_wait3A_93 : memref<10000x128xf32, #tpu.memory_space<hbm>>) dst(%arg14 : memref<128x128xf32, #tpu.memory_space<vmem>>)
          %add3A_94 = arith.constant 1 : i32
          %add3A_95 = arith.addi %add3A_63, %add3A_94 : i32
          "tpu.region"() ({
            %run_scoped3A_96 = tpu.sem_alloc : memref<!tpu.dma_semaphore, #tpu.memory_space<semaphore_mem>>
            %dma_start3A_97 = arith.constant 0 : i32
            %dma_start3A_98 = tpu.memref_slice %arg12[%add3A_95, %dma_start3A_97] : memref<40x128xi32, #tpu.memory_space<vmem>> -> memref<1x128xi32, #tpu.memory_space<vmem>>
            %dma_start3A_99 = tpu.memref_squeeze %dma_start3A_98 : memref<1x128xi32, #tpu.memory_space<vmem>> -> memref<128xi32, #tpu.memory_space<vmem>>
            %dma_start3A_100 = arith.constant 0 : i32
            %dma_start3A_101 = arith.constant 0 : i32
            %dma_start3A_102 = tpu.memref_slice %arg15[%dma_start3A_100, %dma_start3A_101] : memref<10240x128xf32, #tpu.memory_space<vmem_shared>> -> memref<10240x128xf32, #tpu.memory_space<vmem_shared>>
            tpu.enqueue_indirect_dma source(%arg14 : memref<128x128xf32, #tpu.memory_space<vmem>>) target(%dma_start3A_102 : memref<10240x128xf32, #tpu.memory_space<vmem_shared>>) offsets(%dma_start3A_99 : memref<128xi32, #tpu.memory_space<vmem>>) semaphore(%run_scoped3A_96 : memref<!tpu.dma_semaphore, #tpu.memory_space<semaphore_mem>>) {add = true}
            %dma_wait3A_103 = arith.constant 0 : i32
            %dma_wait3A_104 = tpu.memref_slice %arg12[%add3A_95, %dma_wait3A_103] : memref<40x128xi32, #tpu.memory_space<vmem>> -> memref<1x128xi32, #tpu.memory_space<vmem>>
            %dma_wait3A_105 = tpu.memref_squeeze %dma_wait3A_104 : memref<1x128xi32, #tpu.memory_space<vmem>> -> memref<128xi32, #tpu.memory_space<vmem>>
            %dma_wait3A_106 = arith.constant 0 : i32
            %dma_wait3A_107 = arith.constant 0 : i32
            %dma_wait3A_108 = tpu.memref_slice %arg15[%dma_wait3A_106, %dma_wait3A_107] : memref<10240x128xf32, #tpu.memory_space<vmem_shared>> -> memref<10240x128xf32, #tpu.memory_space<vmem_shared>>
            tpu.wait_indirect_dma semaphore(%run_scoped3A_96 : memref<!tpu.dma_semaphore, #tpu.memory_space<semaphore_mem>>) src(%arg14 : memref<128x128xf32, #tpu.memory_space<vmem>>) dst(%dma_wait3A_108 : memref<10240x128xf32, #tpu.memory_space<vmem_shared>>)
            tpu.yield
          }) : () -> ()
        }
        %scan3A_37 = arith.constant 19 : i32
        %dma_start3A_38 = arith.constant 39 : i32
        %dma_start3A_39 = arith.constant 0 : i32
        %dma_start3A_40 = tpu.memref_slice %arg11[%dma_start3A_38, %dma_start3A_39] : memref<40x128xi32, #tpu.memory_space<vmem>> -> memref<1x128xi32, #tpu.memory_space<vmem>>
        %dma_start3A_41 = tpu.memref_squeeze %dma_start3A_40 : memref<1x128xi32, #tpu.memory_space<vmem>> -> memref<128xi32, #tpu.memory_space<vmem>>
        %dma_start3A_42 = arith.constant 0 : i32
        %dma_start3A_43 = arith.constant 0 : i32
        %dma_start3A_44 = tpu.memref_slice %arg3[%dma_start3A_42, %dma_start3A_43] : memref<10000x128xf32, #tpu.memory_space<hbm>> -> memref<10000x128xf32, #tpu.memory_space<hbm>>
        tpu.enqueue_indirect_dma source(%dma_start3A_44 : memref<10000x128xf32, #tpu.memory_space<hbm>>) target(%arg14 : memref<128x128xf32, #tpu.memory_space<vmem>>) offsets(%dma_start3A_41 : memref<128xi32, #tpu.memory_space<vmem>>) semaphore(%arg17 : memref<!tpu.dma_semaphore, #tpu.memory_space<semaphore_mem>>)
        %dma_wait3A = arith.constant 38 : i32
        %dma_wait3A_45 = arith.constant 0 : i32
        %dma_wait3A_46 = tpu.memref_slice %arg11[%dma_wait3A, %dma_wait3A_45] : memref<40x128xi32, #tpu.memory_space<vmem>> -> memref<1x128xi32, #tpu.memory_space<vmem>>
        %dma_wait3A_47 = tpu.memref_squeeze %dma_wait3A_46 : memref<1x128xi32, #tpu.memory_space<vmem>> -> memref<128xi32, #tpu.memory_space<vmem>>
        %dma_wait3A_48 = arith.constant 0 : i32
        %dma_wait3A_49 = arith.constant 0 : i32
        %dma_wait3A_50 = tpu.memref_slice %arg3[%dma_wait3A_48, %dma_wait3A_49] : memref<10000x128xf32, #tpu.memory_space<hbm>> -> memref<10000x128xf32, #tpu.memory_space<hbm>>
        tpu.wait_indirect_dma semaphore(%arg16 : memref<!tpu.dma_semaphore, #tpu.memory_space<semaphore_mem>>) src(%dma_wait3A_50 : memref<10000x128xf32, #tpu.memory_space<hbm>>) dst(%arg13 : memref<128x128xf32, #tpu.memory_space<vmem>>)
        %run_scoped3A = arith.constant 38 : i32
        "tpu.region"() ({
          %run_scoped3A_59 = tpu.sem_alloc : memref<!tpu.dma_semaphore, #tpu.memory_space<semaphore_mem>>
          %dma_start3A_60 = arith.constant 0 : i32
          %dma_start3A_61 = tpu.memref_slice %arg12[%run_scoped3A, %dma_start3A_60] : memref<40x128xi32, #tpu.memory_space<vmem>> -> memref<1x128xi32, #tpu.memory_space<vmem>>
          %dma_start3A_62 = tpu.memref_squeeze %dma_start3A_61 : memref<1x128xi32, #tpu.memory_space<vmem>> -> memref<128xi32, #tpu.memory_space<vmem>>
          %dma_start3A_63 = arith.constant 0 : i32
          %dma_start3A_64 = arith.constant 0 : i32
          %dma_start3A_65 = tpu.memref_slice %arg15[%dma_start3A_63, %dma_start3A_64] : memref<10240x128xf32, #tpu.memory_space<vmem_shared>> -> memref<10240x128xf32, #tpu.memory_space<vmem_shared>>
          tpu.enqueue_indirect_dma source(%arg13 : memref<128x128xf32, #tpu.memory_space<vmem>>) target(%dma_start3A_65 : memref<10240x128xf32, #tpu.memory_space<vmem_shared>>) offsets(%dma_start3A_62 : memref<128xi32, #tpu.memory_space<vmem>>) semaphore(%run_scoped3A_59 : memref<!tpu.dma_semaphore, #tpu.memory_space<semaphore_mem>>) {add = true}
          %dma_wait3A_66 = arith.constant 0 : i32
          %dma_wait3A_67 = tpu.memref_slice %arg12[%run_scoped3A, %dma_wait3A_66] : memref<40x128xi32, #tpu.memory_space<vmem>> -> memref<1x128xi32, #tpu.memory_space<vmem>>
          %dma_wait3A_68 = tpu.memref_squeeze %dma_wait3A_67 : memref<1x128xi32, #tpu.memory_space<vmem>> -> memref<128xi32, #tpu.memory_space<vmem>>
          %dma_wait3A_69 = arith.constant 0 : i32
          %dma_wait3A_70 = arith.constant 0 : i32
          %dma_wait3A_71 = tpu.memref_slice %arg15[%dma_wait3A_69, %dma_wait3A_70] : memref<10240x128xf32, #tpu.memory_space<vmem_shared>> -> memref<10240x128xf32, #tpu.memory_space<vmem_shared>>
          tpu.wait_indirect_dma semaphore(%run_scoped3A_59 : memref<!tpu.dma_semaphore, #tpu.memory_space<semaphore_mem>>) src(%arg13 : memref<128x128xf32, #tpu.memory_space<vmem>>) dst(%dma_wait3A_71 : memref<10240x128xf32, #tpu.memory_space<vmem_shared>>)
          tpu.yield
        }) : () -> ()
        %dma_wait3A_51 = arith.constant 39 : i32
        %dma_wait3A_52 = arith.constant 0 : i32
        %dma_wait3A_53 = tpu.memref_slice %arg11[%dma_wait3A_51, %dma_wait3A_52] : memref<40x128xi32, #tpu.memory_space<vmem>> -> memref<1x128xi32, #tpu.memory_space<vmem>>
        %dma_wait3A_54 = tpu.memref_squeeze %dma_wait3A_53 : memref<1x128xi32, #tpu.memory_space<vmem>> -> memref<128xi32, #tpu.memory_space<vmem>>
        %dma_wait3A_55 = arith.constant 0 : i32
        %dma_wait3A_56 = arith.constant 0 : i32
        %dma_wait3A_57 = tpu.memref_slice %arg3[%dma_wait3A_55, %dma_wait3A_56] : memref<10000x128xf32, #tpu.memory_space<hbm>> -> memref<10000x128xf32, #tpu.memory_space<hbm>>
        tpu.wait_indirect_dma semaphore(%arg17 : memref<!tpu.dma_semaphore, #tpu.memory_space<semaphore_mem>>) src(%dma_wait3A_57 : memref<10000x128xf32, #tpu.memory_space<hbm>>) dst(%arg14 : memref<128x128xf32, #tpu.memory_space<vmem>>)
        %run_scoped3A_58 = arith.constant 39 : i32
        "tpu.region"() ({
          %run_scoped3A_59 = tpu.sem_alloc : memref<!tpu.dma_semaphore, #tpu.memory_space<semaphore_mem>>
          %dma_start3A_60 = arith.constant 0 : i32
          %dma_start3A_61 = tpu.memref_slice %arg12[%run_scoped3A_58, %dma_start3A_60] : memref<40x128xi32, #tpu.memory_space<vmem>> -> memref<1x128xi32, #tpu.memory_space<vmem>>
          %dma_start3A_62 = tpu.memref_squeeze %dma_start3A_61 : memref<1x128xi32, #tpu.memory_space<vmem>> -> memref<128xi32, #tpu.memory_space<vmem>>
          %dma_start3A_63 = arith.constant 0 : i32
          %dma_start3A_64 = arith.constant 0 : i32
          %dma_start3A_65 = tpu.memref_slice %arg15[%dma_start3A_63, %dma_start3A_64] : memref<10240x128xf32, #tpu.memory_space<vmem_shared>> -> memref<10240x128xf32, #tpu.memory_space<vmem_shared>>
          tpu.enqueue_indirect_dma source(%arg14 : memref<128x128xf32, #tpu.memory_space<vmem>>) target(%dma_start3A_65 : memref<10240x128xf32, #tpu.memory_space<vmem_shared>>) offsets(%dma_start3A_62 : memref<128xi32, #tpu.memory_space<vmem>>) semaphore(%run_scoped3A_59 : memref<!tpu.dma_semaphore, #tpu.memory_space<semaphore_mem>>) {add = true}
          %dma_wait3A_66 = arith.constant 0 : i32
          %dma_wait3A_67 = tpu.memref_slice %arg12[%run_scoped3A_58, %dma_wait3A_66] : memref<40x128xi32, #tpu.memory_space<vmem>> -> memref<1x128xi32, #tpu.memory_space<vmem>>
          %dma_wait3A_68 = tpu.memref_squeeze %dma_wait3A_67 : memref<1x128xi32, #tpu.memory_space<vmem>> -> memref<128xi32, #tpu.memory_space<vmem>>
          %dma_wait3A_69 = arith.constant 0 : i32
          %dma_wait3A_70 = arith.constant 0 : i32
          %dma_wait3A_71 = tpu.memref_slice %arg15[%dma_wait3A_69, %dma_wait3A_70] : memref<10240x128xf32, #tpu.memory_space<vmem_shared>> -> memref<10240x128xf32, #tpu.memory_space<vmem_shared>>
          tpu.wait_indirect_dma semaphore(%run_scoped3A_59 : memref<!tpu.dma_semaphore, #tpu.memory_space<semaphore_mem>>) src(%arg14 : memref<128x128xf32, #tpu.memory_space<vmem>>) dst(%dma_wait3A_71 : memref<10240x128xf32, #tpu.memory_space<vmem_shared>>)
          tpu.yield
        }) : () -> ()
      }
      %scan3A_22 = arith.constant 4 : i32
    } else {
    }
    %barrier3A_8 = arith.constant 0 : index
    tpu.barrier barrier_id(%barrier3A_8)
    %eq3A_9 = arith.constant 0 : i32
    %eq3A_10 = arith.cmpi eq, %arg0, %eq3A_9 : i32
    %convert_element_type3A_11 = arith.extui %eq3A_10 : i1 to i32
    %cond3A_12 = arith.constant 0 : i32
    %cond3A_13 = arith.cmpi ne, %convert_element_type3A_11, %cond3A_12 : i32
    scf.if %cond3A_13 {
      %mul3A_19 = arith.constant 640 : i32
      %mul3A_20 = arith.muli %arg1, %mul3A_19 : i32
      %mul3A_21 = arith.constant 640 : i32
      %mul3A_22 = arith.muli %arg1, %mul3A_21 : i32
      "tpu.region"() ({
        %run_scoped3A = tpu.sem_alloc : memref<!tpu.dma_semaphore, #tpu.memory_space<semaphore_mem>>
        %dma_start3A = arith.constant 0 : i32
        %dma_start3A_23 = tpu.memref_slice %arg9[%mul3A_22, %dma_start3A] : memref<10240x128xf32, #tpu.memory_space<hbm>> -> memref<640x128xf32, #tpu.memory_space<hbm>>
        %dma_start3A_24 = arith.constant 0 : i32
        %dma_start3A_25 = tpu.memref_slice %arg15[%mul3A_20, %dma_start3A_24] : memref<10240x128xf32, #tpu.memory_space<vmem_shared>> -> memref<640x128xf32, #tpu.memory_space<vmem_shared>>
        tpu.enqueue_dma source(%dma_start3A_25 : memref<640x128xf32, #tpu.memory_space<vmem_shared>>) target(%dma_start3A_23 : memref<640x128xf32, #tpu.memory_space<hbm>>) target_semaphore(%run_scoped3A : memref<!tpu.dma_semaphore, #tpu.memory_space<semaphore_mem>>)
        %dma_wait3A = arith.constant 0 : i32
        %dma_wait3A_26 = tpu.memref_slice %arg9[%mul3A_22, %dma_wait3A] : memref<10240x128xf32, #tpu.memory_space<hbm>> -> memref<640x128xf32, #tpu.memory_space<hbm>>
        %dma_wait3A_27 = arith.constant 0 : i32
        %dma_wait3A_28 = tpu.memref_slice %arg15[%mul3A_20, %dma_wait3A_27] : memref<10240x128xf32, #tpu.memory_space<vmem_shared>> -> memref<640x128xf32, #tpu.memory_space<vmem_shared>>
        tpu.wait_dma2 semaphore(%run_scoped3A : memref<!tpu.dma_semaphore, #tpu.memory_space<semaphore_mem>>) src(%dma_wait3A_28 : memref<640x128xf32, #tpu.memory_space<vmem_shared>>) dst(%dma_wait3A_26 : memref<640x128xf32, #tpu.memory_space<hbm>>)
        tpu.yield
      }) : () -> ()
    } else {
    }
    %eq3A_14 = arith.constant 1 : i32
    %eq3A_15 = arith.cmpi eq, %arg0, %eq3A_14 : i32
    %convert_element_type3A_16 = arith.extui %eq3A_15 : i1 to i32
    %cond3A_17 = arith.constant 0 : i32
    %cond3A_18 = arith.cmpi ne, %convert_element_type3A_16, %cond3A_17 : i32
    scf.if %cond3A_18 {
      %mul3A_19 = arith.constant 640 : i32
      %mul3A_20 = arith.muli %arg1, %mul3A_19 : i32
      %mul3A_21 = arith.constant 640 : i32
      %mul3A_22 = arith.muli %arg1, %mul3A_21 : i32
      "tpu.region"() ({
        %run_scoped3A = tpu.sem_alloc : memref<!tpu.dma_semaphore, #tpu.memory_space<semaphore_mem>>
        %dma_start3A = arith.constant 0 : i32
        %dma_start3A_23 = tpu.memref_slice %arg10[%mul3A_22, %dma_start3A] : memref<10240x128xf32, #tpu.memory_space<hbm>> -> memref<640x128xf32, #tpu.memory_space<hbm>>
        %dma_start3A_24 = arith.constant 0 : i32
        %dma_start3A_25 = tpu.memref_slice %arg15[%mul3A_20, %dma_start3A_24] : memref<10240x128xf32, #tpu.memory_space<vmem_shared>> -> memref<640x128xf32, #tpu.memory_space<vmem_shared>>
        tpu.enqueue_dma source(%dma_start3A_25 : memref<640x128xf32, #tpu.memory_space<vmem_shared>>) target(%dma_start3A_23 : memref<640x128xf32, #tpu.memory_space<hbm>>) target_semaphore(%run_scoped3A : memref<!tpu.dma_semaphore, #tpu.memory_space<semaphore_mem>>)
        %dma_wait3A = arith.constant 0 : i32
        %dma_wait3A_26 = tpu.memref_slice %arg10[%mul3A_22, %dma_wait3A] : memref<10240x128xf32, #tpu.memory_space<hbm>> -> memref<640x128xf32, #tpu.memory_space<hbm>>
        %dma_wait3A_27 = arith.constant 0 : i32
        %dma_wait3A_28 = tpu.memref_slice %arg15[%mul3A_20, %dma_wait3A_27] : memref<10240x128xf32, #tpu.memory_space<vmem_shared>> -> memref<640x128xf32, #tpu.memory_space<vmem_shared>>
        tpu.wait_dma2 semaphore(%run_scoped3A : memref<!tpu.dma_semaphore, #tpu.memory_space<semaphore_mem>>) src(%dma_wait3A_28 : memref<640x128xf32, #tpu.memory_space<vmem_shared>>) dst(%dma_wait3A_26 : memref<640x128xf32, #tpu.memory_space<hbm>>)
        tpu.yield
      }) : () -> ()
    } else {
    }
    return
  }
}

module attributes {stable_mosaic.version = 14 : i64} {
  func.func @body(%arg0: i32, %arg1: memref<1000x128xf32, #tpu.memory_space<vmem>>, %arg2: memref<128x128xf32, #tpu.memory_space<vmem>>, %arg3: memref<1x128xf32, #tpu.memory_space<vmem>>, %arg4: memref<1000x128xf32, #tpu.memory_space<vmem>>) attributes {dimension_semantics = [#tpu.dimension_semantics<arbitrary>], iteration_bounds = array<i64: 10>, scalar_prefetch = 0 : i64, scratch_operands = 0 : i64, tpu.core_type = #tpu.core_type<tc>, window_params = [{transform_indices = @transform_0, window_bounds = array<i64: 1000, 128>}, {pipeline_mode = #tpu.pipeline_mode<synchronous>, transform_indices = @transform_1, window_bounds = array<i64: 128, 128>}, {pipeline_mode = #tpu.pipeline_mode<synchronous>, transform_indices = @transform_2, window_bounds = array<i64: 1, 128>}, {transform_indices = @transform_3, window_bounds = array<i64: 1000, 128>}]} {
    %get3A = arith.constant 0 : index
    %get3A_0 = arith.constant 0 : index
    %get3A_1 = vector.load %arg1[%get3A, %get3A_0] : memref<1000x128xf32, #tpu.memory_space<vmem>>, vector<1000x128xf32>
    %mul3A = arith.mulf %get3A_1, %get3A_1 : vector<1000x128xf32>
    %reduce_sum3A = arith.constant dense<0.000000e+00> : vector<1000xf32>
    %reduce_sum3A_2 = vector.multi_reduction <add>, %mul3A, %reduce_sum3A [1] : vector<1000x128xf32> to vector<1000xf32>
    %broadcast_in_dim3A = vector.shape_cast %reduce_sum3A_2 : vector<1000xf32> to vector<1000x1xf32>
    %sqrt3A = math.sqrt %broadcast_in_dim3A : vector<1000x1xf32>
    %max3A = arith.constant 9.99999996E-13 : f32
    %max3A_3 = vector.broadcast %max3A : f32 to vector<1000x1xf32>
    %max3A_4 = arith.maximumf %sqrt3A, %max3A_3 : vector<1000x1xf32>
    %div3A = vector.broadcast %max3A_4 : vector<1000x1xf32> to vector<1000x128xf32>
    %div3A_5 = arith.divf %get3A_1, %div3A : vector<1000x128xf32>
    %get3A_6 = arith.constant 0 : index
    %get3A_7 = arith.constant 0 : index
    %get3A_8 = vector.load %arg2[%get3A_6, %get3A_7] : memref<128x128xf32, #tpu.memory_space<vmem>>, vector<128x128xf32>
    %dot_general3A = arith.constant dense<0.000000e+00> : vector<1000x128xf32>
    %dot_general3A_9 = tpu.matmul %div3A_5, %get3A_8, %dot_general3A {dimension_numbers = #tpu.dot_dimension_numbers<[1], [0], [0], [1], [0, 0, 1, 1], [], []>, transpose_lhs_hint = false} : vector<1000x128xf32>, vector<128x128xf32>, vector<1000x128xf32> -> vector<1000x128xf32>
    %get3A_10 = arith.constant 0 : index
    %get3A_11 = arith.constant 0 : index
    %get3A_12 = vector.load %arg3[%get3A_10, %get3A_11] : memref<1x128xf32, #tpu.memory_space<vmem>>, vector<1x128xf32>
    %add3A = vector.broadcast %get3A_12 : vector<1x128xf32> to vector<1000x128xf32>
    %add3A_13 = arith.addf %dot_general3A_9, %add3A : vector<1000x128xf32>
    %swap3A = arith.constant 0 : index
    %swap3A_14 = arith.constant 0 : index
    %swap3A_15 = vector.load %arg4[%swap3A, %swap3A_14] : memref<1000x128xf32, #tpu.memory_space<vmem>>, vector<1000x128xf32>
    tpu.vector_store %arg4[%swap3A, %swap3A_14], %add3A_13 {strides = array<i32>} : memref<1000x128xf32, #tpu.memory_space<vmem>>, vector<1000x128xf32>,
    return
  }
  func.func @transform_0(%arg0: i32) -> (i32, i32) {
    %c0_i32 = arith.constant 0 : i32
    %c0_i32_0 = arith.constant 0 : i32
    return %arg0, %c0_i32 : i32, i32
  }
  func.func @transform_1(%arg0: i32) -> (i32, i32) {
    %c0_i32 = arith.constant 0 : i32
    %c0_i32_0 = arith.constant 0 : i32
    %c0_i32_1 = arith.constant 0 : i32
    return %c0_i32, %c0_i32_0 : i32, i32
  }
  func.func @transform_2(%arg0: i32) -> (i32, i32) {
    %c0_i32 = arith.constant 0 : i32
    %c0_i32_0 = arith.constant 0 : i32
    %c0_i32_1 = arith.constant 0 : i32
    return %c0_i32, %c0_i32_0 : i32, i32
  }
  func.func @transform_3(%arg0: i32) -> (i32, i32) {
    %c0_i32 = arith.constant 0 : i32
    %c0_i32_0 = arith.constant 0 : i32
    return %arg0, %c0_i32 : i32, i32
  }
}

module attributes {stable_mosaic.version = 14 : i64} {
  func.func @body(%arg0: i32, %arg1: memref<1000x128xf32, #tpu.memory_space<vmem>>, %arg2: memref<128x128xf32, #tpu.memory_space<vmem>>, %arg3: memref<1x128xf32, #tpu.memory_space<vmem>>, %arg4: memref<128x1xf32, #tpu.memory_space<vmem>>, %arg5: memref<1x1xf32, #tpu.memory_space<vmem>>, %arg6: memref<128x128xf32, #tpu.memory_space<vmem>>, %arg7: memref<1x128xf32, #tpu.memory_space<vmem>>, %arg8: memref<128x64xf32, #tpu.memory_space<vmem>>, %arg9: memref<1x64xf32, #tpu.memory_space<vmem>>, %arg10: memref<128x128xf32, #tpu.memory_space<vmem>>, %arg11: memref<1x128xf32, #tpu.memory_space<vmem>>, %arg12: memref<128x1024xf32, #tpu.memory_space<vmem>>, %arg13: memref<1x1024xf32, #tpu.memory_space<vmem>>, %arg14: memref<1000x1xf32, #tpu.memory_space<vmem>>, %arg15: memref<1000x64xf32, #tpu.memory_space<vmem>>, %arg16: memref<1000x1024xf32, #tpu.memory_space<vmem>>, %arg17: memref<1000x128xf32, #tpu.memory_space<vmem>>) attributes {dimension_semantics = [#tpu.dimension_semantics<arbitrary>], iteration_bounds = array<i64: 10>, scalar_prefetch = 0 : i64, scratch_operands = 0 : i64, tpu.core_type = #tpu.core_type<tc>, window_params = [{transform_indices = @transform_0, window_bounds = array<i64: 1000, 128>}, {pipeline_mode = #tpu.pipeline_mode<synchronous>, transform_indices = @transform_1, window_bounds = array<i64: 128, 128>}, {pipeline_mode = #tpu.pipeline_mode<synchronous>, transform_indices = @transform_2, window_bounds = array<i64: 1, 128>}, {pipeline_mode = #tpu.pipeline_mode<synchronous>, transform_indices = @transform_3, window_bounds = array<i64: 128, 1>}, {pipeline_mode = #tpu.pipeline_mode<synchronous>, transform_indices = @transform_4, window_bounds = array<i64: 1, 1>}, {pipeline_mode = #tpu.pipeline_mode<synchronous>, transform_indices = @transform_5, window_bounds = array<i64: 128, 128>}, {pipeline_mode = #tpu.pipeline_mode<synchronous>, transform_indices = @transform_6, window_bounds = array<i64: 1, 128>}, {pipeline_mode = #tpu.pipeline_mode<synchronous>, transform_indices = @transform_7, window_bounds = array<i64: 128, 64>}, {pipeline_mode = #tpu.pipeline_mode<synchronous>, transform_indices = @transform_8, window_bounds = array<i64: 1, 64>}, {pipeline_mode = #tpu.pipeline_mode<synchronous>, transform_indices = @transform_9, window_bounds = array<i64: 128, 128>}, {pipeline_mode = #tpu.pipeline_mode<synchronous>, transform_indices = @transform_10, window_bounds = array<i64: 1, 128>}, {pipeline_mode = #tpu.pipeline_mode<synchronous>, transform_indices = @transform_11, window_bounds = array<i64: 128, 1024>}, {pipeline_mode = #tpu.pipeline_mode<synchronous>, transform_indices = @transform_12, window_bounds = array<i64: 1, 1024>}, {transform_indices = @transform_13, window_bounds = array<i64: 1000, 1>}, {transform_indices = @transform_14, window_bounds = array<i64: 1000, 64>}, {transform_indices = @transform_15, window_bounds = array<i64: 1000, 1024>}, {transform_indices = @transform_16, window_bounds = array<i64: 1000, 128>}]} {
    %get3A = arith.constant 0 : index
    %get3A_0 = arith.constant 0 : index
    %get3A_1 = vector.load %arg1[%get3A, %get3A_0] : memref<1000x128xf32, #tpu.memory_space<vmem>>, vector<1000x128xf32>
    %mul3A = arith.mulf %get3A_1, %get3A_1 : vector<1000x128xf32>
    %reduce_sum3A = arith.constant dense<0.000000e+00> : vector<1000xf32>
    %reduce_sum3A_2 = vector.multi_reduction <add>, %mul3A, %reduce_sum3A [1] : vector<1000x128xf32> to vector<1000xf32>
    %broadcast_in_dim3A = vector.shape_cast %reduce_sum3A_2 : vector<1000xf32> to vector<1000x1xf32>
    %sqrt3A = math.sqrt %broadcast_in_dim3A : vector<1000x1xf32>
    %max3A = arith.constant 9.99999996E-13 : f32
    %max3A_3 = vector.broadcast %max3A : f32 to vector<1000x1xf32>
    %max3A_4 = arith.maximumf %sqrt3A, %max3A_3 : vector<1000x1xf32>
    %div3A = vector.broadcast %max3A_4 : vector<1000x1xf32> to vector<1000x128xf32>
    %div3A_5 = arith.divf %get3A_1, %div3A : vector<1000x128xf32>
    %swap3A = arith.constant 0 : index
    %swap3A_6 = arith.constant 0 : index
    %swap3A_7 = vector.load %arg17[%swap3A, %swap3A_6] : memref<1000x128xf32, #tpu.memory_space<vmem>>, vector<1000x128xf32>
    tpu.vector_store %arg17[%swap3A, %swap3A_6], %div3A_5 {strides = array<i32>} : memref<1000x128xf32, #tpu.memory_space<vmem>>, vector<1000x128xf32>,
    %get3A_8 = arith.constant 0 : index
    %get3A_9 = arith.constant 0 : index
    %get3A_10 = vector.load %arg2[%get3A_8, %get3A_9] : memref<128x128xf32, #tpu.memory_space<vmem>>, vector<128x128xf32>
    %dot_general3A = arith.constant dense<0.000000e+00> : vector<1000x128xf32>
    %dot_general3A_11 = tpu.matmul %div3A_5, %get3A_10, %dot_general3A {dimension_numbers = #tpu.dot_dimension_numbers<[1], [0], [0], [1], [0, 0, 1, 1], [], []>, transpose_lhs_hint = false} : vector<1000x128xf32>, vector<128x128xf32>, vector<1000x128xf32> -> vector<1000x128xf32>
    %get3A_12 = arith.constant 0 : index
    %get3A_13 = arith.constant 0 : index
    %get3A_14 = vector.load %arg3[%get3A_12, %get3A_13] : memref<1x128xf32, #tpu.memory_space<vmem>>, vector<1x128xf32>
    %add3A = vector.broadcast %get3A_14 : vector<1x128xf32> to vector<1000x128xf32>
    %add3A_15 = arith.addf %dot_general3A_11, %add3A : vector<1000x128xf32>
    %max3A_16 = arith.constant 0.000000e+00 : f32
    %max3A_17 = vector.broadcast %max3A_16 : f32 to vector<1000x128xf32>
    %max3A_18 = arith.maximumf %add3A_15, %max3A_17 : vector<1000x128xf32>
    %get3A_19 = arith.constant 0 : index
    %get3A_20 = arith.constant 0 : index
    %get3A_21 = vector.load %arg4[%get3A_19, %get3A_20] : memref<128x1xf32, #tpu.memory_space<vmem>>, vector<128x1xf32>
    %dot_general3A_22 = arith.constant dense<0.000000e+00> : vector<1000x1xf32>
    %dot_general3A_23 = tpu.matmul %max3A_18, %get3A_21, %dot_general3A_22 {dimension_numbers = #tpu.dot_dimension_numbers<[1], [0], [0], [1], [0, 0, 1, 1], [], []>, transpose_lhs_hint = false} : vector<1000x128xf32>, vector<128x1xf32>, vector<1000x1xf32> -> vector<1000x1xf32>
    %get3A_24 = arith.constant 0 : index
    %get3A_25 = arith.constant 0 : index
    %get3A_26 = vector.load %arg5[%get3A_24, %get3A_25] : memref<1x1xf32, #tpu.memory_space<vmem>>, vector<1x1xf32>
    %add3A_27 = vector.broadcast %get3A_26 : vector<1x1xf32> to vector<1000x1xf32>
    %add3A_28 = arith.addf %dot_general3A_23, %add3A_27 : vector<1000x1xf32>
    %logistic3A = arith.negf %add3A_28 : vector<1000x1xf32>
    %logistic3A_29 = math.exp %logistic3A : vector<1000x1xf32>
    %logistic3A_30 = arith.constant 1.000000e+00 : f32
    %logistic3A_31 = vector.broadcast %logistic3A_30 : f32 to vector<1000x1xf32>
    %logistic3A_32 = arith.addf %logistic3A_31, %logistic3A_29 : vector<1000x1xf32>
    %logistic3A_33 = arith.divf %logistic3A_31, %logistic3A_32 : vector<1000x1xf32>
    %swap3A_34 = arith.constant 0 : index
    %swap3A_35 = arith.constant 0 : index
    %swap3A_36 = vector.load %arg14[%swap3A_34, %swap3A_35] : memref<1000x1xf32, #tpu.memory_space<vmem>>, vector<1000x1xf32>
    tpu.vector_store %arg14[%swap3A_34, %swap3A_35], %logistic3A_33 {strides = array<i32>} : memref<1000x1xf32, #tpu.memory_space<vmem>>, vector<1000x1xf32>,
    %get3A_37 = arith.constant 0 : index
    %get3A_38 = arith.constant 0 : index
    %get3A_39 = vector.load %arg6[%get3A_37, %get3A_38] : memref<128x128xf32, #tpu.memory_space<vmem>>, vector<128x128xf32>
    %dot_general3A_40 = arith.constant dense<0.000000e+00> : vector<1000x128xf32>
    %dot_general3A_41 = tpu.matmul %div3A_5, %get3A_39, %dot_general3A_40 {dimension_numbers = #tpu.dot_dimension_numbers<[1], [0], [0], [1], [0, 0, 1, 1], [], []>, transpose_lhs_hint = false} : vector<1000x128xf32>, vector<128x128xf32>, vector<1000x128xf32> -> vector<1000x128xf32>
    %get3A_42 = arith.constant 0 : index
    %get3A_43 = arith.constant 0 : index
    %get3A_44 = vector.load %arg7[%get3A_42, %get3A_43] : memref<1x128xf32, #tpu.memory_space<vmem>>, vector<1x128xf32>
    %add3A_45 = vector.broadcast %get3A_44 : vector<1x128xf32> to vector<1000x128xf32>
    %add3A_46 = arith.addf %dot_general3A_41, %add3A_45 : vector<1000x128xf32>
    %max3A_47 = arith.constant 0.000000e+00 : f32
    %max3A_48 = vector.broadcast %max3A_47 : f32 to vector<1000x128xf32>
    %max3A_49 = arith.maximumf %add3A_46, %max3A_48 : vector<1000x128xf32>
    %get3A_50 = arith.constant 0 : index
    %get3A_51 = arith.constant 0 : index
    %get3A_52 = vector.load %arg8[%get3A_50, %get3A_51] : memref<128x64xf32, #tpu.memory_space<vmem>>, vector<128x64xf32>
    %dot_general3A_53 = arith.constant dense<0.000000e+00> : vector<1000x64xf32>
    %dot_general3A_54 = tpu.matmul %max3A_49, %get3A_52, %dot_general3A_53 {dimension_numbers = #tpu.dot_dimension_numbers<[1], [0], [0], [1], [0, 0, 1, 1], [], []>, transpose_lhs_hint = false} : vector<1000x128xf32>, vector<128x64xf32>, vector<1000x64xf32> -> vector<1000x64xf32>
    %get3A_55 = arith.constant 0 : index
    %get3A_56 = arith.constant 0 : index
    %get3A_57 = vector.load %arg9[%get3A_55, %get3A_56] : memref<1x64xf32, #tpu.memory_space<vmem>>, vector<1x64xf32>
    %add3A_58 = vector.broadcast %get3A_57 : vector<1x64xf32> to vector<1000x64xf32>
    %add3A_59 = arith.addf %dot_general3A_54, %add3A_58 : vector<1000x64xf32>
    %logistic3A_60 = arith.negf %add3A_59 : vector<1000x64xf32>
    %logistic3A_61 = math.exp %logistic3A_60 : vector<1000x64xf32>
    %logistic3A_62 = arith.constant 1.000000e+00 : f32
    %logistic3A_63 = vector.broadcast %logistic3A_62 : f32 to vector<1000x64xf32>
    %logistic3A_64 = arith.addf %logistic3A_63, %logistic3A_61 : vector<1000x64xf32>
    %logistic3A_65 = arith.divf %logistic3A_63, %logistic3A_64 : vector<1000x64xf32>
    %swap3A_66 = arith.constant 0 : index
    %swap3A_67 = arith.constant 0 : index
    %swap3A_68 = vector.load %arg15[%swap3A_66, %swap3A_67] : memref<1000x64xf32, #tpu.memory_space<vmem>>, vector<1000x64xf32>
    tpu.vector_store %arg15[%swap3A_66, %swap3A_67], %logistic3A_65 {strides = array<i32>} : memref<1000x64xf32, #tpu.memory_space<vmem>>, vector<1000x64xf32>,
    %get3A_69 = arith.constant 0 : index
    %get3A_70 = arith.constant 0 : index
    %get3A_71 = vector.load %arg10[%get3A_69, %get3A_70] : memref<128x128xf32, #tpu.memory_space<vmem>>, vector<128x128xf32>
    %dot_general3A_72 = arith.constant dense<0.000000e+00> : vector<1000x128xf32>
    %dot_general3A_73 = tpu.matmul %div3A_5, %get3A_71, %dot_general3A_72 {dimension_numbers = #tpu.dot_dimension_numbers<[1], [0], [0], [1], [0, 0, 1, 1], [], []>, transpose_lhs_hint = false} : vector<1000x128xf32>, vector<128x128xf32>, vector<1000x128xf32> -> vector<1000x128xf32>
    %get3A_74 = arith.constant 0 : index
    %get3A_75 = arith.constant 0 : index
    %get3A_76 = vector.load %arg11[%get3A_74, %get3A_75] : memref<1x128xf32, #tpu.memory_space<vmem>>, vector<1x128xf32>
    %add3A_77 = vector.broadcast %get3A_76 : vector<1x128xf32> to vector<1000x128xf32>
    %add3A_78 = arith.addf %dot_general3A_73, %add3A_77 : vector<1000x128xf32>
    %max3A_79 = arith.constant 0.000000e+00 : f32
    %max3A_80 = vector.broadcast %max3A_79 : f32 to vector<1000x128xf32>
    %max3A_81 = arith.maximumf %add3A_78, %max3A_80 : vector<1000x128xf32>
    %get3A_82 = arith.constant 0 : index
    %get3A_83 = arith.constant 0 : index
    %get3A_84 = vector.load %arg12[%get3A_82, %get3A_83] : memref<128x1024xf32, #tpu.memory_space<vmem>>, vector<128x1024xf32>
    %dot_general3A_85 = arith.constant dense<0.000000e+00> : vector<1000x1024xf32>
    %dot_general3A_86 = tpu.matmul %max3A_81, %get3A_84, %dot_general3A_85 {dimension_numbers = #tpu.dot_dimension_numbers<[1], [0], [0], [1], [0, 0, 1, 1], [], []>, transpose_lhs_hint = false} : vector<1000x128xf32>, vector<128x1024xf32>, vector<1000x1024xf32> -> vector<1000x1024xf32>
    %get3A_87 = arith.constant 0 : index
    %get3A_88 = arith.constant 0 : index
    %get3A_89 = vector.load %arg13[%get3A_87, %get3A_88] : memref<1x1024xf32, #tpu.memory_space<vmem>>, vector<1x1024xf32>
    %add3A_90 = vector.broadcast %get3A_89 : vector<1x1024xf32> to vector<1000x1024xf32>
    %add3A_91 = arith.addf %dot_general3A_86, %add3A_90 : vector<1000x1024xf32>
    %logistic3A_92 = arith.negf %add3A_91 : vector<1000x1024xf32>
    %logistic3A_93 = math.exp %logistic3A_92 : vector<1000x1024xf32>
    %logistic3A_94 = arith.constant 1.000000e+00 : f32
    %logistic3A_95 = vector.broadcast %logistic3A_94 : f32 to vector<1000x1024xf32>
    %logistic3A_96 = arith.addf %logistic3A_95, %logistic3A_93 : vector<1000x1024xf32>
    %logistic3A_97 = arith.divf %logistic3A_95, %logistic3A_96 : vector<1000x1024xf32>
    %swap3A_98 = arith.constant 0 : index
    %swap3A_99 = arith.constant 0 : index
    %swap3A_100 = vector.load %arg16[%swap3A_98, %swap3A_99] : memref<1000x1024xf32, #tpu.memory_space<vmem>>, vector<1000x1024xf32>
    tpu.vector_store %arg16[%swap3A_98, %swap3A_99], %logistic3A_97 {strides = array<i32>} : memref<1000x1024xf32, #tpu.memory_space<vmem>>, vector<1000x1024xf32>,
    return
  }
  func.func @transform_0(%arg0: i32) -> (i32, i32) {
    %c0_i32 = arith.constant 0 : i32
    %c0_i32_0 = arith.constant 0 : i32
    return %arg0, %c0_i32 : i32, i32
  }
  func.func @transform_1(%arg0: i32) -> (i32, i32) {
    %c0_i32 = arith.constant 0 : i32
    %c0_i32_0 = arith.constant 0 : i32
    %c0_i32_1 = arith.constant 0 : i32
    return %c0_i32, %c0_i32_0 : i32, i32
  }
  func.func @transform_2(%arg0: i32) -> (i32, i32) {
    %c0_i32 = arith.constant 0 : i32
    %c0_i32_0 = arith.constant 0 : i32
    %c0_i32_1 = arith.constant 0 : i32
    return %c0_i32, %c0_i32_0 : i32, i32
  }
  func.func @transform_3(%arg0: i32) -> (i32, i32) {
    %c0_i32 = arith.constant 0 : i32
    %c0_i32_0 = arith.constant 0 : i32
    %c0_i32_1 = arith.constant 0 : i32
    return %c0_i32, %c0_i32_0 : i32, i32
  }
  func.func @transform_4(%arg0: i32) -> (i32, i32) {
    %c0_i32 = arith.constant 0 : i32
    %c0_i32_0 = arith.constant 0 : i32
    %c0_i32_1 = arith.constant 0 : i32
    return %c0_i32, %c0_i32_0 : i32, i32
  }
  func.func @transform_5(%arg0: i32) -> (i32, i32) {
    %c0_i32 = arith.constant 0 : i32
    %c0_i32_0 = arith.constant 0 : i32
    %c0_i32_1 = arith.constant 0 : i32
    return %c0_i32, %c0_i32_0 : i32, i32
  }
  func.func @transform_6(%arg0: i32) -> (i32, i32) {
    %c0_i32 = arith.constant 0 : i32
    %c0_i32_0 = arith.constant 0 : i32
    %c0_i32_1 = arith.constant 0 : i32
    return %c0_i32, %c0_i32_0 : i32, i32
  }
  func.func @transform_7(%arg0: i32) -> (i32, i32) {
    %c0_i32 = arith.constant 0 : i32
    %c0_i32_0 = arith.constant 0 : i32
    %c0_i32_1 = arith.constant 0 : i32
    return %c0_i32, %c0_i32_0 : i32, i32
  }
  func.func @transform_8(%arg0: i32) -> (i32, i32) {
    %c0_i32 = arith.constant 0 : i32
    %c0_i32_0 = arith.constant 0 : i32
    %c0_i32_1 = arith.constant 0 : i32
    return %c0_i32, %c0_i32_0 : i32, i32
  }
  func.func @transform_9(%arg0: i32) -> (i32, i32) {
    %c0_i32 = arith.constant 0 : i32
    %c0_i32_0 = arith.constant 0 : i32
    %c0_i32_1 = arith.constant 0 : i32
    return %c0_i32, %c0_i32_0 : i32, i32
  }
  func.func @transform_10(%arg0: i32) -> (i32, i32) {
    %c0_i32 = arith.constant 0 : i32
    %c0_i32_0 = arith.constant 0 : i32
    %c0_i32_1 = arith.constant 0 : i32
    return %c0_i32, %c0_i32_0 : i32, i32
  }
  func.func @transform_11(%arg0: i32) -> (i32, i32) {
    %c0_i32 = arith.constant 0 : i32
    %c0_i32_0 = arith.constant 0 : i32
    %c0_i32_1 = arith.constant 0 : i32
    return %c0_i32, %c0_i32_0 : i32, i32
  }
  func.func @transform_12(%arg0: i32) -> (i32, i32) {
    %c0_i32 = arith.constant 0 : i32
    %c0_i32_0 = arith.constant 0 : i32
    %c0_i32_1 = arith.constant 0 : i32
    return %c0_i32, %c0_i32_0 : i32, i32
  }
  func.func @transform_13(%arg0: i32) -> (i32, i32) {
    %c0_i32 = arith.constant 0 : i32
    %c0_i32_0 = arith.constant 0 : i32
    return %arg0, %c0_i32 : i32, i32
  }
  func.func @transform_14(%arg0: i32) -> (i32, i32) {
    %c0_i32 = arith.constant 0 : i32
    %c0_i32_0 = arith.constant 0 : i32
    return %arg0, %c0_i32 : i32, i32
  }
  func.func @transform_15(%arg0: i32) -> (i32, i32) {
    %c0_i32 = arith.constant 0 : i32
    %c0_i32_0 = arith.constant 0 : i32
    return %arg0, %c0_i32 : i32, i32
  }
  func.func @transform_16(%arg0: i32) -> (i32, i32) {
    %c0_i32 = arith.constant 0 : i32
    %c0_i32_0 = arith.constant 0 : i32
    return %arg0, %c0_i32 : i32, i32
  }
}

module attributes {stable_mosaic.version = 14 : i64} {
  func.func @body(%arg0: i32, %arg1: memref<1000x128xf32, #tpu.memory_space<vmem>>, %arg2: memref<1000x128xf32, #tpu.memory_space<vmem>>, %arg3: memref<1x1xf32, #tpu.memory_space<vmem>>, %arg4: memref<128x128xf32, #tpu.memory_space<vmem>>, %arg5: memref<1x128xf32, #tpu.memory_space<vmem>>, %arg6: memref<128x128xf32, #tpu.memory_space<vmem>>, %arg7: memref<1x128xf32, #tpu.memory_space<vmem>>, %arg8: memref<1x128xf32, #tpu.memory_space<vmem>>, %arg9: memref<1x128xf32, #tpu.memory_space<vmem>>, %arg10: memref<1000x128xf32, #tpu.memory_space<vmem>>) attributes {dimension_semantics = [#tpu.dimension_semantics<arbitrary>], iteration_bounds = array<i64: 10>, scalar_prefetch = 0 : i64, scratch_operands = 0 : i64, tpu.core_type = #tpu.core_type<tc>, window_params = [{transform_indices = @transform_0, window_bounds = array<i64: 1000, 128>}, {transform_indices = @transform_1, window_bounds = array<i64: 1000, 128>}, {pipeline_mode = #tpu.pipeline_mode<synchronous>, transform_indices = @transform_2, window_bounds = array<i64: 1, 1>}, {pipeline_mode = #tpu.pipeline_mode<synchronous>, transform_indices = @transform_3, window_bounds = array<i64: 128, 128>}, {pipeline_mode = #tpu.pipeline_mode<synchronous>, transform_indices = @transform_4, window_bounds = array<i64: 1, 128>}, {pipeline_mode = #tpu.pipeline_mode<synchronous>, transform_indices = @transform_5, window_bounds = array<i64: 128, 128>}, {pipeline_mode = #tpu.pipeline_mode<synchronous>, transform_indices = @transform_6, window_bounds = array<i64: 1, 128>}, {pipeline_mode = #tpu.pipeline_mode<synchronous>, transform_indices = @transform_7, window_bounds = array<i64: 1, 128>}, {pipeline_mode = #tpu.pipeline_mode<synchronous>, transform_indices = @transform_8, window_bounds = array<i64: 1, 128>}, {transform_indices = @transform_9, window_bounds = array<i64: 1000, 128>}]} {
    %get3A = arith.constant 0 : index
    %get3A_0 = arith.constant 0 : index
    %get3A_1 = vector.load %arg1[%get3A, %get3A_0] : memref<1000x128xf32, #tpu.memory_space<vmem>>, vector<1000x128xf32>
    %get3A_2 = arith.constant 0 : index
    %get3A_3 = arith.constant 0 : index
    %get3A_4 = vector.load %arg3[%get3A_2, %get3A_3] : memref<1x1xf32, #tpu.memory_space<vmem>>, vector<1x1xf32>
    %add3A = arith.constant 1.000000e+00 : f32
    %add3A_5 = vector.broadcast %add3A : f32 to vector<1x1xf32>
    %add3A_6 = arith.addf %add3A_5, %get3A_4 : vector<1x1xf32>
    %mul3A = vector.broadcast %add3A_6 : vector<1x1xf32> to vector<1000x128xf32>
    %mul3A_7 = arith.mulf %get3A_1, %mul3A : vector<1000x128xf32>
    %get3A_8 = arith.constant 0 : index
    %get3A_9 = arith.constant 0 : index
    %get3A_10 = vector.load %arg2[%get3A_8, %get3A_9] : memref<1000x128xf32, #tpu.memory_space<vmem>>, vector<1000x128xf32>
    %add3A_11 = arith.addf %mul3A_7, %get3A_10 : vector<1000x128xf32>
    %get3A_12 = arith.constant 0 : index
    %get3A_13 = arith.constant 0 : index
    %get3A_14 = vector.load %arg4[%get3A_12, %get3A_13] : memref<128x128xf32, #tpu.memory_space<vmem>>, vector<128x128xf32>
    %dot_general3A = arith.constant dense<0.000000e+00> : vector<1000x128xf32>
    %dot_general3A_15 = tpu.matmul %add3A_11, %get3A_14, %dot_general3A {dimension_numbers = #tpu.dot_dimension_numbers<[1], [0], [0], [1], [0, 0, 1, 1], [], []>, transpose_lhs_hint = false} : vector<1000x128xf32>, vector<128x128xf32>, vector<1000x128xf32> -> vector<1000x128xf32>
    %get3A_16 = arith.constant 0 : index
    %get3A_17 = arith.constant 0 : index
    %get3A_18 = vector.load %arg5[%get3A_16, %get3A_17] : memref<1x128xf32, #tpu.memory_space<vmem>>, vector<1x128xf32>
    %add3A_19 = vector.broadcast %get3A_18 : vector<1x128xf32> to vector<1000x128xf32>
    %add3A_20 = arith.addf %dot_general3A_15, %add3A_19 : vector<1000x128xf32>
    %max3A = arith.constant 0.000000e+00 : f32
    %max3A_21 = vector.broadcast %max3A : f32 to vector<1000x128xf32>
    %max3A_22 = arith.maximumf %add3A_20, %max3A_21 : vector<1000x128xf32>
    %get3A_23 = arith.constant 0 : index
    %get3A_24 = arith.constant 0 : index
    %get3A_25 = vector.load %arg6[%get3A_23, %get3A_24] : memref<128x128xf32, #tpu.memory_space<vmem>>, vector<128x128xf32>
    %dot_general3A_26 = arith.constant dense<0.000000e+00> : vector<1000x128xf32>
    %dot_general3A_27 = tpu.matmul %max3A_22, %get3A_25, %dot_general3A_26 {dimension_numbers = #tpu.dot_dimension_numbers<[1], [0], [0], [1], [0, 0, 1, 1], [], []>, transpose_lhs_hint = false} : vector<1000x128xf32>, vector<128x128xf32>, vector<1000x128xf32> -> vector<1000x128xf32>
    %get3A_28 = arith.constant 0 : index
    %get3A_29 = arith.constant 0 : index
    %get3A_30 = vector.load %arg7[%get3A_28, %get3A_29] : memref<1x128xf32, #tpu.memory_space<vmem>>, vector<1x128xf32>
    %add3A_31 = vector.broadcast %get3A_30 : vector<1x128xf32> to vector<1000x128xf32>
    %add3A_32 = arith.addf %dot_general3A_27, %add3A_31 : vector<1000x128xf32>
    %max3A_33 = arith.constant 0.000000e+00 : f32
    %max3A_34 = vector.broadcast %max3A_33 : f32 to vector<1000x128xf32>
    %max3A_35 = arith.maximumf %add3A_32, %max3A_34 : vector<1000x128xf32>
    %reduce_sum3A = arith.constant dense<0.000000e+00> : vector<1000xf32>
    %reduce_sum3A_36 = vector.multi_reduction <add>, %max3A_35, %reduce_sum3A [1] : vector<1000x128xf32> to vector<1000xf32>
    %broadcast_in_dim3A = vector.shape_cast %reduce_sum3A_36 : vector<1000xf32> to vector<1000x1xf32>
    %div3A = arith.constant 1.280000e+02 : f32
    %div3A_37 = vector.broadcast %div3A : f32 to vector<1000x1xf32>
    %div3A_38 = arith.divf %broadcast_in_dim3A, %div3A_37 : vector<1000x1xf32>
    %sub3A = vector.broadcast %div3A_38 : vector<1000x1xf32> to vector<1000x128xf32>
    %sub3A_39 = arith.subf %max3A_35, %sub3A : vector<1000x128xf32>
    %mul3A_40 = arith.mulf %sub3A_39, %sub3A_39 : vector<1000x128xf32>
    %reduce_sum3A_41 = arith.constant dense<0.000000e+00> : vector<1000xf32>
    %reduce_sum3A_42 = vector.multi_reduction <add>, %mul3A_40, %reduce_sum3A_41 [1] : vector<1000x128xf32> to vector<1000xf32>
    %broadcast_in_dim3A_43 = vector.shape_cast %reduce_sum3A_42 : vector<1000xf32> to vector<1000x1xf32>
    %div3A_44 = arith.constant 1.280000e+02 : f32
    %div3A_45 = vector.broadcast %div3A_44 : f32 to vector<1000x1xf32>
    %div3A_46 = arith.divf %broadcast_in_dim3A_43, %div3A_45 : vector<1000x1xf32>
    %add3A_47 = arith.constant 9.99999974E-6 : f32
    %add3A_48 = vector.broadcast %add3A_47 : f32 to vector<1000x1xf32>
    %add3A_49 = arith.addf %div3A_46, %add3A_48 : vector<1000x1xf32>
    %rsqrt3A = math.rsqrt %add3A_49 : vector<1000x1xf32>
    %mul3A_50 = vector.broadcast %rsqrt3A : vector<1000x1xf32> to vector<1000x128xf32>
    %mul3A_51 = arith.mulf %sub3A_39, %mul3A_50 : vector<1000x128xf32>
    %get3A_52 = arith.constant 0 : index
    %get3A_53 = arith.constant 0 : index
    %get3A_54 = vector.load %arg8[%get3A_52, %get3A_53] : memref<1x128xf32, #tpu.memory_space<vmem>>, vector<1x128xf32>
    %mul3A_55 = vector.broadcast %get3A_54 : vector<1x128xf32> to vector<1000x128xf32>
    %mul3A_56 = arith.mulf %mul3A_51, %mul3A_55 : vector<1000x128xf32>
    %get3A_57 = arith.constant 0 : index
    %get3A_58 = arith.constant 0 : index
    %get3A_59 = vector.load %arg9[%get3A_57, %get3A_58] : memref<1x128xf32, #tpu.memory_space<vmem>>, vector<1x128xf32>
    %add3A_60 = vector.broadcast %get3A_59 : vector<1x128xf32> to vector<1000x128xf32>
    %add3A_61 = arith.addf %mul3A_56, %add3A_60 : vector<1000x128xf32>
    %max3A_62 = arith.constant 0.000000e+00 : f32
    %max3A_63 = vector.broadcast %max3A_62 : f32 to vector<1000x128xf32>
    %max3A_64 = arith.maximumf %add3A_61, %max3A_63 : vector<1000x128xf32>
    %swap3A = arith.constant 0 : index
    %swap3A_65 = arith.constant 0 : index
    %swap3A_66 = vector.load %arg10[%swap3A, %swap3A_65] : memref<1000x128xf32, #tpu.memory_space<vmem>>, vector<1000x128xf32>
    tpu.vector_store %arg10[%swap3A, %swap3A_65], %max3A_64 {strides = array<i32>} : memref<1000x128xf32, #tpu.memory_space<vmem>>, vector<1000x128xf32>,
    return
  }
  func.func @transform_0(%arg0: i32) -> (i32, i32) {
    %c0_i32 = arith.constant 0 : i32
    %c0_i32_0 = arith.constant 0 : i32
    return %arg0, %c0_i32 : i32, i32
  }
  func.func @transform_1(%arg0: i32) -> (i32, i32) {
    %c0_i32 = arith.constant 0 : i32
    %c0_i32_0 = arith.constant 0 : i32
    return %arg0, %c0_i32 : i32, i32
  }
  func.func @transform_2(%arg0: i32) -> (i32, i32) {
    %c0_i32 = arith.constant 0 : i32
    %c0_i32_0 = arith.constant 0 : i32
    %c0_i32_1 = arith.constant 0 : i32
    return %c0_i32, %c0_i32_0 : i32, i32
  }
  func.func @transform_3(%arg0: i32) -> (i32, i32) {
    %c0_i32 = arith.constant 0 : i32
    %c0_i32_0 = arith.constant 0 : i32
    %c0_i32_1 = arith.constant 0 : i32
    return %c0_i32, %c0_i32_0 : i32, i32
  }
  func.func @transform_4(%arg0: i32) -> (i32, i32) {
    %c0_i32 = arith.constant 0 : i32
    %c0_i32_0 = arith.constant 0 : i32
    %c0_i32_1 = arith.constant 0 : i32
    return %c0_i32, %c0_i32_0 : i32, i32
  }
  func.func @transform_5(%arg0: i32) -> (i32, i32) {
    %c0_i32 = arith.constant 0 : i32
    %c0_i32_0 = arith.constant 0 : i32
    %c0_i32_1 = arith.constant 0 : i32
    return %c0_i32, %c0_i32_0 : i32, i32
  }
  func.func @transform_6(%arg0: i32) -> (i32, i32) {
    %c0_i32 = arith.constant 0 : i32
    %c0_i32_0 = arith.constant 0 : i32
    %c0_i32_1 = arith.constant 0 : i32
    return %c0_i32, %c0_i32_0 : i32, i32
  }
  func.func @transform_7(%arg0: i32) -> (i32, i32) {
    %c0_i32 = arith.constant 0 : i32
    %c0_i32_0 = arith.constant 0 : i32
    %c0_i32_1 = arith.constant 0 : i32
    return %c0_i32, %c0_i32_0 : i32, i32
  }
  func.func @transform_8(%arg0: i32) -> (i32, i32) {
    %c0_i32 = arith.constant 0 : i32
    %c0_i32_0 = arith.constant 0 : i32
    %c0_i32_1 = arith.constant 0 : i32
    return %c0_i32, %c0_i32_0 : i32, i32
  }
  func.func @transform_9(%arg0: i32) -> (i32, i32) {
    %c0_i32 = arith.constant 0 : i32
    %c0_i32_0 = arith.constant 0 : i32
    return %arg0, %c0_i32 : i32, i32
  }
}

</mosaic_0001>

<sc_bundles>
// kernel: kernel.10.cloned.1.call-start
scs
__scs_entry_jumppad:
0x0: {  	(pc) =	sbr.rel $0x88, $3  }
0x1: {  	(tag) =	ssettag $0x0;
	lr =	simm.s32 $0x1  }
0x2: {  	[smem:$0x3F71] =	sst lr;
	_ =	strace $0xD0000000  }
0x3: {  	_ = 	snop  }
0x4: {  	_ = 	snop  }
0x5: {  	_ = 	snop  }
0x6: {  	_ = 	snop  }
0x7: {  	_ = 	snop  }
__scs_overlays_trampoline_lowered:
0x8: {  	[smem:$0x3F80] =	sst s0  }
0x9: {  	[smem:$0x3F81] =	sst s1  }
0xa: {  	[smem:$0x3F82] =	sst s2  }
0xb: {  	[smem:$0x3F83] =	sst s3  }
0xc: {  	[smem:$0x3F84] =	sst s4  }
0xd: {  	[smem:$0x3F85] =	sst s5  }
0xe: {  	[smem:$0x3F86] =	sst s6  }
0xf: {  	[smem:$0x3F87] =	sst s7  }
0x10: {  	[smem:$0x3F88] =	sst s8  }
0x11: {  	[smem:$0x3F89] =	sst s9;
	s0 =	simm.s32 @!p0 $0x0  }
0x12: {  	s1 =	sld [smem:$0x3F6F];
	s0 =	simm.s32 @p0 $0x1  }
0x13: {  	[smem:$0x3F8A] =	sst s0;
	s0 =	simm.s32 @!p1 $0x0  }
0x14: {  	s2 =	sld [smem:$0x3F6E];
	s0 =	simm.s32 @p1 $0x1  }
0x15: {  	[smem:$0x3F8B] =	sst s0;
	s0 =	simm.s32 @!p2 $0x0  }
0x16: {  	s3 =	sld [smem:$0x3FDB];
	s0 =	simm.s32 @p2 $0x1  }
0x17: {  	s4 =	simm.s32 $0x1BF5;
	[smem:$0x3F8D] =	sst s0  }
0x18: {  	s0 =	sld [smem:$0x3F70];
	_ =	swait.ge [sflag:s4], $0x0  }
0x19: {  	s7 =	sld [smem:$0x3F71]  }
0x1a: {  	s8 =	sadd.s32 $0xFFFFE003, lr  }
0x1b: {  	s9 =	sadd.s32 $0xFFFFFEF7, lr;
	s5 =	simm.s32 $0xFFFFFFFF;
	p2 =	slt.u32 s8, $0xFFFFF086  }
0x1c: {  	p1 =	slt.u32 s9, $0xF7A;
	s5 =	simm.s32 @!p2 $0x0  }
0x1d: {  	s5 =	simm.s32 @p1 $0x1;
	p0 =	seq.s32 s7, s2  }
0x1e: {  	s7 =	smul.u32 @!p0 $0xF7A, s2;
	p2 =	seq.s32 @!p0 s5, $0x0  }
0x1f: {  	s9 =	smul.u32 $0xF7A, s1;
	s8 =	simm.s32 @!p0 $0x1BF5;
	p2 =	por !p2, p0  }
0x20: {  	[sflag:s8] =	ssyncset.s32 @!p0 $0xFFFFF086;
	s6 =	sadd.s32 @!p0 s3, s7;
	s7 =	simm.s32 @!p0 $0x108  }
0x21: {  	s3 =	sadd.s32 s3, s9;
	s6 =	sadd.s32 @!p0 $0x88, s6;
	s7 =	simm.s32 @p2 $0x1082  }
0x22: {  	[simem:s7], [sflag:s8] =	dma.local @!p0 [hbm:s6], $0xF7A  }
0x23: {  	s9 =	sor.u32 $0xD0000000, s2;
	s6 =	simm.s32 $0x108;
	_ =	swait.ge @!p0 [sflag:s8], $0x0  }
0x24: {  	s3 =	sadd.s32 $0x88, s3;
	s6 =	simm.s32 @!p1 $0x1082;
	[sflag:s4] =	ssyncset.s32 $0xFFFFF086  }
0x25: {  	[simem:s6], [sflag:s4] =	dma.local [hbm:s3], $0xF7A  }
0x26: {  	[smem:$0x3F71] =	sst s1;
	(tag) =	ssettag s2;
	_ =	strace s9  }
0x27: {  	s1 =	sld [smem:$0x3F81]  }
0x28: {  	s2 =	sld [smem:$0x3F82]  }
0x29: {  	s4 =	sld [smem:$0x3F84]  }
0x2a: {  	p0 =	seq.s32 s5, $0x0;
	s5 =	sld [smem:$0x3F85]  }
0x2b: {  	s6 =	sld [smem:$0x3F86]  }
0x2c: {  	s7 =	sld [smem:$0x3F87]  }
0x2d: {  	s3 =	simm.s32 $0x108;
	s8 =	sld [smem:$0x3F88]  }
0x2e: {  	s3 =	simm.s32 @!p0 $0x1082;
	s9 =	sld [smem:$0x3F89]  }
0x2f: {  	lr =	sadd.s32 s0, s3;
	s0 =	sld [smem:$0x3F80]  }
0x30: {  	s3 =	sld [smem:$0x3F83]  }
0x31: {  	[smem:$0x3F8C] =	sst s10  }
0x32: {  	s10 =	sld [smem:$0x3F8A];
	_ =	sdelay $0x3  }
0x33: {  	p0 =	seq.s32 s10, $0x1;
	s10 =	sld [smem:$0x3F8C];
	_ =	sdelay $0x3  }
0x34: {  	[smem:$0x3F8C] =	sst s10  }
0x35: {  	s10 =	sld [smem:$0x3F8B];
	_ =	sdelay $0x3  }
0x36: {  	p1 =	seq.s32 s10, $0x1;
	s10 =	sld [smem:$0x3F8C];
	_ =	sdelay $0x3  }
0x37: {  	[smem:$0x3F8C] =	sst s10  }
0x38: {  	s10 =	sld [smem:$0x3F8D]  }
0x39: {  	_ = 	snop;
	(pc) =	sbr.ind lr, $3  }
0x3a: {  	_ = 	snop  }
0x3b: {  	_ = 	snop  }
0x3c: {  	p2 =	seq.s32 s10, $0x1;
	s10 =	sld [smem:$0x3F8C]  }
0x3d: {  	_ =	shalt  }
0x3e: {  	_ =	shalt  }
0x3f: {  	_ =	shalt  }
0x40: {  	_ =	shalt  }
0x41: {  	_ =	shalt  }
0x42: {  	_ =	shalt  }
0x43: {  	_ =	shalt  }
0x44: {  	_ =	shalt  }
0x45: {  	_ =	shalt  }
0x46: {  	_ =	shalt  }
0x47: {  	_ =	shalt  }
0x48: {  	_ =	shalt  }
0x49: {  	_ =	shalt  }
0x4a: {  	_ =	shalt  }
0x4b: {  	_ =	shalt  }
0x4c: {  	_ =	shalt  }
0x4d: {  	_ =	shalt  }
0x4e: {  	_ =	shalt  }
0x4f: {  	_ =	shalt  }
0x50: {  	_ =	shalt  }
0x51: {  	_ =	shalt  }
0x52: {  	_ =	shalt  }
0x53: {  	_ =	shalt  }
0x54: {  	_ =	shalt  }
0x55: {  	_ =	shalt  }
0x56: {  	_ =	shalt  }
0x57: {  	_ =	shalt  }
0x58: {  	_ =	shalt  }
0x59: {  	_ =	shalt  }
0x5a: {  	_ =	shalt  }
0x5b: {  	_ =	shalt  }
0x5c: {  	_ =	shalt  }
0x5d: {  	_ =	shalt  }
0x5e: {  	_ =	shalt  }
0x5f: {  	_ =	shalt  }
0x60: {  	_ =	shalt  }
0x61: {  	_ =	shalt  }
0x62: {  	_ =	shalt  }
0x63: {  	_ =	shalt  }
0x64: {  	_ =	shalt  }
0x65: {  	_ =	shalt  }
0x66: {  	_ =	shalt  }
0x67: {  	_ =	shalt  }
0x68: {  	_ =	shalt  }
0x69: {  	_ =	shalt  }
0x6a: {  	_ =	shalt  }
0x6b: {  	_ =	shalt  }
0x6c: {  	_ =	shalt  }
0x6d: {  	_ =	shalt  }
0x6e: {  	_ =	shalt  }
0x6f: {  	_ =	shalt  }
0x70: {  	_ =	shalt  }
0x71: {  	_ =	shalt  }
0x72: {  	_ =	shalt  }
0x73: {  	_ =	shalt  }
0x74: {  	_ =	shalt  }
0x75: {  	_ =	shalt  }
0x76: {  	_ =	shalt  }
0x77: {  	_ =	shalt  }
0x78: {  	_ =	shalt  }
0x79: {  	_ =	shalt  }
0x7a: {  	_ =	shalt  }
0x7b: {  	_ =	shalt  }
0x7c: {  	_ =	shalt  }
0x7d: {  	_ =	shalt  }
0x7e: {  	_ =	shalt  }
0x7f: {  	_ =	shalt  }
0x80: {  	_ =	shalt  }
0x81: {  	_ =	shalt  }
0x82: {  	_ =	shalt  }
0x83: {  	_ =	shalt  }
0x84: {  	_ =	shalt  }
0x85: {  	_ =	shalt  }
0x86: {  	_ =	shalt  }
0x87: {  	_ =	shalt  }
.Lfunc_end0:
.L_simem_size_0:
called_computation_lowered:
.L_overlay_start_0:
0x88: {  	s2 =	sld [smem:$0x3FD9]  }
0x89: {  	s3 =	sld [smem:$0x3FFE];
	_ =	sdelay $0x1  }
0x8a: {  	s1 =	srdreg.scid  }
0x8b: {  	s0 =	sand.u32 $0x1, s1  }
0x8c: {  	s14 =	sshll.u32 s0, $0xA;
	s2 =	sadd.s32 s3, s2  }
0x8d: {  	s2 =	sadd.s32 s2, s14  }
0x8e: {  	[smem:$0x3F98] =	sst s2  }
0x8f: {  	_ = 	snop  }
0x90: {  	s2 =	sld [smem:$0x3FD0];
	_ =	sdelay $0x2  }
0x91: {  	s15 =	simm.s32 $0xA;
	s4 =	simm.s32 $0x10  }
0x92: {  	[smem:s4], [sflag:s15] =	dma.local [hbm:s2], $0x1  }
0x93: {  	_ =	swait.eq [sflag:s15], $0x1  }
0x94: {  	s16 =	sld [smem:$0x11];
	[sflag:s15] =	ssyncset.done $0x0  }
0x95: {  	s17 =	sld [smem:$0x12];
	[sflag:s15] =	ssyncadd.s32 $0xFFFFFFFF  }
0x96: {  	s18 =	sld [smem:$0x13];
	(tm) =	ssettm $0x1  }
0x97: {  	s5 =	sld [smem:$0x3FFB];
	_ =	sdelay $0x3  }
0x98: {  	_ =	strace s5  }
0x99: {  	s5 =	sld [smem:$0x3FFC];
	_ =	sdelay $0x3  }
0x9a: {  	_ =	strace s5  }
0x9b: {  	s5 =	sld [smem:$0x3FFD];
	_ =	sdelay $0x3  }
0x9c: {  	_ =	strace s5  }
0x9d: {  	_ =	strace $0x8FFFFFFF  }
0x9e: {  	s19 =	sld [smem:$0x3FDB];
	_ =	sdelay $0x1  }
0x9f: {  	s6 =	simm.s32 $_scs_section_size  }
0xa0: {  	s7 =	simm.s32 $_size__tile_overlayer_lowered;
	s8 =	simm.s32 $_tile_overlayer_lowered  }
0xa1: {  	s22 =	simm.s32 $0x1BFF;
	s21 =	sshll.u32 s8, $0x1;
	s5 =	sadd.s32 s6, s19  }
0xa2: {  	s9 =	simm.s32 $0x0;
	s20 =	sshll.u32 s7, $0x1;
	s7 =	sadd.s32 s21, s5  }
0xa3: {  	[timem:s9], [sflag:s22] =	dma.local [hbm:s7], s20  }
0xa4: {  	_ =	swait.ge [sflag:s22], s20  }
0xa5: {  	s6 =	ssub.s32 $0x0, s20;
	[sflag:s22] =	ssyncset.done $0x0  }
0xa6: {  	[sflag:s22] =	ssyncadd.s32 s6;
	_ =	sdelay $0x1  }
0xa7: {  	s23 =	simm.s32 $0x1B8B  }
0xa8: {  	_ =	swait.ge [sflag:s23], $0x1  }
0xa9: {  	[sflag:s23] =	ssyncset.done $0x0  }
0xaa: {  	s25 =	simm.s32 $0x1B8E;
	s24 =	sld [smem:$0x3FFE];
	[sflag:s23] =	ssyncadd.s32 $0xFFFFFFFF  }
0xab: {  	s26 =	simm.s32 $execute0_lowered;
	[smem:$0x3FD2] =	sst s25  }
0xac: {  	s7 =	sshll.u32 s26, $0x1;
	_ =	strace $0x80000046;
	[dreg:$0x1] =	wrdreg $0xFFFFFFFF  }
0xad: {  	s28 =	simm.s32 $_size_execute0_lowered;
	s5 =	sadd.s32 s5, s7;
	[dreg:$0x0] =	wrdreg $0x0  }
0xae: {  	s7 =	sshll.u32 s28, $0x1;
	[dreg:$0x2] =	wrdreg s5  }
0xaf: {  	[dreg:$0x3] =	wrdreg s7  }
0xb0: {  	[dreg:$0x4] =	wrdreg $0xC0  }
0xb1: {  	_ =	task [dreg:s9], $0x5FFFF  }
0xb2: {  	[dreg:$0x1] =	wrdreg $0xFFFFFFFF  }
0xb3: {  	[dreg:$0x0] =	wrdreg $0x60  }
0xb4: {  	[dreg:$0x2] =	wrdreg s18  }
0xb5: {  	[dreg:$0x3] =	wrdreg s24  }
0xb6: {  	[dreg:$0x4] =	wrdreg s16  }
0xb7: {  	[dreg:$0x5] =	wrdreg s17  }
0xb8: {  	[dreg:$0x6] =	wrdreg $0xA8000  }
0xb9: {  	[dreg:$0x7] =	wrdreg $0x9  }
0xba: {  	_ =	task.clear_ibuf [dreg:s9], $0x8FFFF;
	_ =	strace $0x90000046  }
0xbb: {  	s29 =	simm.s32 $0x9;
	_ =	strace $0x80000048  }
0xbc: {  	_ =	swait.ge [sflag:s29], $0x1  }
0xbd: {  	[sflag:s29] =	ssyncadd.s32 $0xFFFFFFFF  }
0xbe: {  	_ =	strace $0x90000048  }
0xbf: {  	_ =	sfence  }
0xc0: {  	s30 =	sld [smem:$0x0];
	_ =	sdelay $0x2  }
0xc1: {  	s31 =	sshll.u32 s1, $0xD;
	s1 =	sshrl.u32 s1, $0x2  }
0xc2: {  	s3 =	sand.u32 $0x4000, s31;
	s1 =	sadd.s32 s1, s30  }
0xc3: {  	s0 =	sor.u32 s3, s0;
	s1 =	sshll.u32 s1, $0x11  }
0xc4: {  	s0 =	sor.u32 s1, s0  }
0xc5: {  	s0 =	sadd.s32 $0x8F2B, s0  }
0xc6: {  	[sflag:s0] =	ssyncadd.remote.s32 $0x1  }
0xc7: {  	_ =	sfence.sel $0xFFFF  }
0xc8: {  	[dreg:$0x0] =	wrdreg $0xFFFFFFFF;
	(pc) =	sbr.abs _section_cstart, $3  }
0xc9: {  	[dreg:$0x1] =	wrdreg $0xFFFFFFFF  }
0xca: {  	_ =	task.clear_ibuf [dreg:s9], $0x2FFFF;
	_ =	strace $0x9FFFFFFF  }
0xcb: {  	(tm) =	ssettm $0x7FFFFFFF  }
tec
execute0_lowered:
.L_overlay_start_1:
0x0: {  	(tag) =	ssettag $0x1  }
0x1: {  	s1 =	rddreg [dreg:$0x0]  }
0x2: {  	s12 =	rddreg [dreg:$0x1]  }
0x3: {  	s2 =	rddreg [dreg:$0x2]  }
0x4: {  	s4 =	rddreg [dreg:$0x4]  }
0x5: {  	s5 =	simm.s32 $0x0;
	s9 =	srdreg.scid;
	s0 =	stileid.u32  }
0x6: {  	s19 =	simm.s32 $0x1400;
	s20 =	simm.s32 $0x80;
	s21 =	simm.s32 $0x2800  }
0x7: {  	s22 =	simm.s32 $0x6800;
	s23 =	simm.s32 $0x1;
	s24 =	simm.s32 $0x2  }
0x8: {  	s25 =	simm.s32 $0x1380;
	s26 =	simm.s32 $0x2700;
	s28 =	simm.s32 $0x2780  }
0x9: {  	[smem:$0x7FF] =	sst s5;
	s7 =	sadd.s32 $0x25A00, s12;
	s8 =	sadd.s32 $0x7A00, s12  }
0xa: {  	s17 =	sand.u32 $0x1, s9;
	s9 =	sadd.s32 $0x1BA00, s12;
	s14 =	smul.u32 $0x50000, s0  }
0xb: {  	s10 =	sadd.s32 $0x11A00, s12;
	s11 =	sadd.s32 $0x4CC00, s12;
	s12 =	sadd.s32 $0x4F400, s12  }
.Ltmp0:
0xc: {  	s31 =	sshll.u32 s0, $0x6;
	s13 =	ssub.s32 $0x2, s17;
	(pc) =	sbr.rel .LBB2_1-.Ltmp0, $4  }
0xd: {  	_ =	strace $0x80000047;
	p0 =	sne.s32 s17, $0x0;
	s15 =	sshrl.u32 s13, $0x1  }
0xe: {  	s30 =	sshrl.u32 s14, $0x2;
	s16 =	ssub.s32 s13, s15;
	s13 =	smul.u32 $0x5000, s0  }
0xf: {  	s14 =	sor.u32 $0x1C03, s31;
	s18 =	sadd.s32 s30, s4;
	s15 =	smul.u32 $0x2800, s0  }
0x10: {  	s16 =	smax.u32 s16, $0x1;
	s17 =	sshrl.u32 s18, $0x3;
	s18 =	simm.s32 $0x3  }
.LBB2_10:
0x11: {  	s5 =	sadd.s32 $0x1, s5  }
0x12: {  	p1 =	sne.s32 s5, s16  }
.Ltmp1:
0x13: {  	s0 =	sadd.s32 s29, s15;
	[bflag:$0x0] =	sbarrier.arrive $0xFFFF;
	(pc) =	sbr.rel @!p1 .LBB2_11-.Ltmp1, $4  }
0x14: {  	[hbm:s0], [sflag:s14] =	dma.local [spmem:s17], $0x2800  }
0x15: {  	_ =	swait.ge [sflag:s18], $0x2800  }
0x16: {  	[sflag:s18] =	ssyncset.done $0x0  }
0x17: {  	[sflag:s18] =	ssyncadd.s32 $0xFFFFD800  }
.LBB2_1:
0x18: {  	[spmem:s17], [sflag:s14] =	dma.local [hbm:s11], $0x2800  }
.Ltmp2:
0x19: {  	_ =	swait.ge [sflag:s18], $0x2800;
	(pc) =	sbr.rel @p0 .LBB2_6-.Ltmp2, $4  }
0x1a: {  	[sflag:s18] =	ssyncset.done $0x0  }
0x1b: {  	[sflag:s18] =	ssyncadd.s32 $0xFFFFD800  }
0x1c: {  	[bflag:$0x0] =	sbarrier.arrive $0xFFFF  }
0x1d: {  	s29 =	simm.s32 $0x0;
	s30 =	simm.s32 $0x0  }
.LBB2_2:
0x1e: {  	s30 =	smul.u32 $0x1400, s29;
	_ =	sdelay $0x1  }
0x1f: {  	s30 =	sadd.s32 s13, s30  }
0x20: {  	s30 =	sshrl.u32 s30, $0x3  }
0x21: {  	s0 =	simm.s32 $0x0;
	s31 =	sadd.s32 s2, s30  }
0x22: {  	[tilespmem:s0], [sflag:$0x3] =	stream.linear.gather [hbm4b:s31+s0], $0x1400, $0x38;
	[tilespmem:$0x1E800] =	vst v63  }
0x23: {  	_ =	swait.ge [sflag:s18], $0x1400  }
0x24: {  	[sflag:s18] =	ssyncset.done $0x0  }
0x25: {  	s30 =	sadd.s32 s8, s30;
	[sflag:s18] =	ssyncadd.s32 $0xFFFFEC00  }
0x26: {  	[tilespmem:s19], [sflag:$0x3] =	stream.linear.gather [hbm4b:s30+s0], $0x1400, $0x38;
	[tilespmem:$0x1E800] =	vst v63  }
0x27: {  	_ =	swait.ge [sflag:s18], $0x1400  }
0x28: {  	[sflag:s18] =	ssyncset.done $0x0  }
0x29: {  	[sflag:s18] =	ssyncadd.s32 $0xFFFFEC00  }
0x2a: {  	[tilespmem:s21], [sflag:$0x1] =	stream.indirect.gather [hbm4b:s1+s20], $0x80, s0, s20, $0xb8;
	[tilespmem:$0x1E800] =	vst v63  }
0x2b: {  	s3 =	simm.s32 $0x80  }
0x2c: {  	[tilespmem:s22], [sflag:$0x2] =	stream.indirect.gather [hbm4b:s1+s20], $0x80, s3, s20, $0xb8;
	[tilespmem:$0x1E800] =	vst v63  }
0x2d: {  	_ =	swait.ge [sflag:s23], $0x4000  }
0x2e: {  	[sflag:s23] =	ssyncset.done $0x0  }
0x2f: {  	s6 =	simm.s32 $0x1400;
	[sflag:s23] =	ssyncadd.s32 $0xFFFFC000  }
0x30: {  	[spmem:s4] =	stream.indirect.scatter.add.f32 [tilespmem:s21], [sflag:$0x3], $0x80, s6, s20, $0xb8;
	[tilespmem:$0x1E800] =	vst v63  }
0x31: {  	_ =	swait.ge [sflag:s18], $0x4000  }
0x32: {  	[sflag:s18] =	ssyncset.done $0x0  }
0x33: {  	s3 =	simm.s32 $0x100;
	[sflag:s18] =	ssyncadd.s32 $0xFFFFC000  }
0x34: {  	[tilespmem:s21], [sflag:$0x1] =	stream.indirect.gather [hbm4b:s1+s20], $0x80, s3, s20, $0xb8;
	[tilespmem:$0x1E800] =	vst v63  }
0x35: {  	_ =	swait.ge [sflag:s24], $0x4000  }
0x36: {  	[sflag:s24] =	ssyncset.done $0x0  }
0x37: {  	s6 =	simm.s32 $0x1480;
	[sflag:s24] =	ssyncadd.s32 $0xFFFFC000  }
0x38: {  	[spmem:s4] =	stream.indirect.scatter.add.f32 [tilespmem:s22], [sflag:$0x3], $0x80, s6, s20, $0xb8;
	[tilespmem:$0x1E800] =	vst v63  }
0x39: {  	_ =	swait.ge [sflag:s18], $0x4000  }
0x3a: {  	s31 =	simm.s32 $0x800;
	s30 =	simm.s32 $0x100;
	[sflag:s18] =	ssyncset.done $0x0  }
.LBB2_3:
0x3b: {  	s0 =	sadd.s32 $0x80, s30  }
0x3c: {  	[sflag:s18] =	ssyncadd.s32 $0xFFFFC000;
	s6 =	smov.u32 s31;
	s3 =	sadd.s32 $0x400, s31  }
0x3d: {  	[tilespmem:s22], [sflag:$0x2] =	stream.indirect.gather [hbm4b:s1+s20], $0x80, s0, s20, $0xb8;
	[tilespmem:$0x1E800] =	vst v63  }
0x3e: {  	p1 =	sne.s32 s31, $0x4800;
	_ =	swait.ge [sflag:s23], $0x4000  }
0x3f: {  	[sflag:s23] =	ssyncset.done $0x0  }
0x40: {  	s0 =	sadd.s32 $0x1400, s30;
	[sflag:s23] =	ssyncadd.s32 $0xFFFFC000  }
0x41: {  	[spmem:s4] =	stream.indirect.scatter.add.f32 [tilespmem:s21], [sflag:$0x3], $0x80, s0, s20, $0xb8;
	[tilespmem:$0x1E800] =	vst v63  }
0x42: {  	_ =	swait.ge [sflag:s18], $0x4000  }
0x43: {  	[sflag:s18] =	ssyncset.done $0x0  }
0x44: {  	s0 =	sadd.s32 $0x100, s30;
	[sflag:s18] =	ssyncadd.s32 $0xFFFFC000  }
0x45: {  	[tilespmem:s21], [sflag:$0x1] =	stream.indirect.gather [hbm4b:s1+s20], $0x80, s0, s20, $0xb8;
	[tilespmem:$0x1E800] =	vst v63  }
0x46: {  	_ =	swait.ge [sflag:s24], $0x4000  }
.Ltmp3:
0x47: {  	[sflag:s24] =	ssyncset.done $0x0;
	(pc) =	sbr.rel @p1 .LBB2_3-.Ltmp3, $4  }
0x48: {  	s0 =	sadd.s32 $0x1480, s30;
	[sflag:s24] =	ssyncadd.s32 $0xFFFFC000  }
0x49: {  	[spmem:s4] =	stream.indirect.scatter.add.f32 [tilespmem:s22], [sflag:$0x3], $0x80, s0, s20, $0xb8;
	[tilespmem:$0x1E800] =	vst v63  }
0x4a: {  	_ =	swait.ge [sflag:s18], $0x4000  }
0x4b: {  	s31 =	smov.u32 s3;
	s30 =	sshra.s32 s6, $0x2;
	[sflag:s18] =	ssyncset.done $0x0  }
0x4c: {  	s0 =	sadd.s32 $0x80, s30;
	[sflag:s18] =	ssyncadd.s32 $0xFFFFC000  }
0x4d: {  	[tilespmem:s22], [sflag:$0x2] =	stream.indirect.gather [hbm4b:s1+s20], $0x80, s0, s20, $0xb8;
	[tilespmem:$0x1E800] =	vst v63  }
0x4e: {  	_ =	swait.ge [sflag:s23], $0x4000  }
0x4f: {  	[sflag:s23] =	ssyncset.done $0x0  }
0x50: {  	s3 =	sadd.s32 $0x1400, s30;
	[sflag:s23] =	ssyncadd.s32 $0xFFFFC000  }
0x51: {  	[spmem:s4] =	stream.indirect.scatter.add.f32 [tilespmem:s21], [sflag:$0x3], $0x80, s3, s20, $0xb8;
	[tilespmem:$0x1E800] =	vst v63  }
0x52: {  	_ =	swait.ge [sflag:s18], $0x4000  }
0x53: {  	[sflag:s18] =	ssyncset.done $0x0  }
0x54: {  	s6 =	sadd.s32 $0x100, s30;
	[sflag:s18] =	ssyncadd.s32 $0xFFFFC000  }
0x55: {  	[tilespmem:s21], [sflag:$0x1] =	stream.indirect.gather [hbm4b:s1+s20], $0x80, s6, s20, $0xb8;
	[tilespmem:$0x1E800] =	vst v63  }
0x56: {  	_ =	swait.ge [sflag:s24], $0x4000  }
0x57: {  	[sflag:s24] =	ssyncset.done $0x0  }
0x58: {  	s31 =	sadd.s32 $0x1480, s30;
	[sflag:s24] =	ssyncadd.s32 $0xFFFFC000  }
0x59: {  	[spmem:s4] =	stream.indirect.scatter.add.f32 [tilespmem:s22], [sflag:$0x3], $0x80, s31, s20, $0xb8;
	[tilespmem:$0x1E800] =	vst v63  }
0x5a: {  	_ =	swait.ge [sflag:s18], $0x4000  }
0x5b: {  	[sflag:s18] =	ssyncset.done $0x0  }
0x5c: {  	[sflag:s18] =	ssyncadd.s32 $0xFFFFC000  }
0x5d: {  	[tilespmem:s22], [sflag:$0x2] =	stream.indirect.gather [hbm4b:s1+s20], $0x80, s25, s20, $0xb8;
	[tilespmem:$0x1E800] =	vst v63  }
0x5e: {  	_ =	swait.ge [sflag:s23], $0x4000  }
0x5f: {  	[sflag:s23] =	ssyncset.done $0x0  }
0x60: {  	[sflag:s23] =	ssyncadd.s32 $0xFFFFC000  }
0x61: {  	[spmem:s4] =	stream.indirect.scatter.add.f32 [tilespmem:s21], [sflag:$0x3], $0x80, s26, s20, $0xb8;
	[tilespmem:$0x1E800] =	vst v63  }
0x62: {  	_ =	swait.ge [sflag:s18], $0x4000  }
0x63: {  	[sflag:s18] =	ssyncset.done $0x0  }
0x64: {  	[sflag:s18] =	ssyncadd.s32 $0xFFFFC000  }
0x65: {  	s29 =	sadd.s32 $0x1, s29;
	_ =	swait.ge [sflag:s24], $0x4000  }
0x66: {  	p1 =	seq.s32 s29, $0x4;
	[sflag:s24] =	ssyncset.done $0x0  }
.Ltmp4:
0x67: {  	[sflag:s24] =	ssyncadd.s32 $0xFFFFC000;
	(pc) =	sbr.rel @!p1 .LBB2_2-.Ltmp4, $4  }
0x68: {  	[spmem:s4] =	stream.indirect.scatter.add.f32 [tilespmem:s22], [sflag:$0x3], $0x80, s28, s20, $0xb8;
	[tilespmem:$0x1E800] =	vst v63  }
0x69: {  	_ =	swait.ge [sflag:s18], $0x4000  }
0x6a: {  	[sflag:s18] =	ssyncset.done $0x0  }
0x6b: {  	[sflag:s18] =	ssyncadd.s32 $0xFFFFC000  }
.Ltmp5:
0x6c: {  	(pc) =	sbr.rel .LBB2_10-.Ltmp5, $2  }
0x6d: {  	_ =	sdelay $0x2  }
0x6e: {  	s29 =	rddreg [dreg:$0x3]  }
.LBB2_6:
0x6f: {  	s0 =	smul.u32 $0x1400, s30;
	_ =	sdelay $0x1  }
0x70: {  	s0 =	sadd.s32 s13, s0  }
0x71: {  	s0 =	sshrl.u32 s0, $0x3  }
0x72: {  	s6 =	simm.s32 $0x0;
	s3 =	sadd.s32 s9, s0  }
0x73: {  	[tilespmem:s6], [sflag:$0x3] =	stream.linear.gather [hbm4b:s3+s6], $0x1400, $0x38;
	[tilespmem:$0x1E800] =	vst v63  }
0x74: {  	_ =	swait.ge [sflag:s18], $0x1400  }
0x75: {  	[sflag:s18] =	ssyncset.done $0x0  }
0x76: {  	s0 =	sadd.s32 s10, s0;
	[sflag:s18] =	ssyncadd.s32 $0xFFFFEC00  }
0x77: {  	[tilespmem:s19], [sflag:$0x3] =	stream.linear.gather [hbm4b:s0+s6], $0x1400, $0x38;
	[tilespmem:$0x1E800] =	vst v63  }
0x78: {  	_ =	swait.ge [sflag:s18], $0x1400  }
0x79: {  	[sflag:s18] =	ssyncset.done $0x0  }
0x7a: {  	[sflag:s18] =	ssyncadd.s32 $0xFFFFEC00  }
0x7b: {  	[tilespmem:s21], [sflag:$0x1] =	stream.indirect.gather [hbm4b:s7+s20], $0x80, s6, s20, $0xb8;
	[tilespmem:$0x1E800] =	vst v63  }
0x7c: {  	s3 =	simm.s32 $0x80  }
0x7d: {  	[tilespmem:s22], [sflag:$0x2] =	stream.indirect.gather [hbm4b:s7+s20], $0x80, s3, s20, $0xb8;
	[tilespmem:$0x1E800] =	vst v63  }
0x7e: {  	_ =	swait.ge [sflag:s23], $0x4000  }
0x7f: {  	[sflag:s23] =	ssyncset.done $0x0  }
0x80: {  	s6 =	simm.s32 $0x1400;
	[sflag:s23] =	ssyncadd.s32 $0xFFFFC000  }
0x81: {  	[spmem:s4] =	stream.indirect.scatter.add.f32 [tilespmem:s21], [sflag:$0x3], $0x80, s6, s20, $0xb8;
	[tilespmem:$0x1E800] =	vst v63  }
0x82: {  	_ =	swait.ge [sflag:s18], $0x4000  }
0x83: {  	[sflag:s18] =	ssyncset.done $0x0  }
0x84: {  	s3 =	simm.s32 $0x100;
	[sflag:s18] =	ssyncadd.s32 $0xFFFFC000  }
0x85: {  	[tilespmem:s21], [sflag:$0x1] =	stream.indirect.gather [hbm4b:s7+s20], $0x80, s3, s20, $0xb8;
	[tilespmem:$0x1E800] =	vst v63  }
0x86: {  	_ =	swait.ge [sflag:s24], $0x4000  }
0x87: {  	[sflag:s24] =	ssyncset.done $0x0  }
0x88: {  	s6 =	simm.s32 $0x1480;
	[sflag:s24] =	ssyncadd.s32 $0xFFFFC000  }
0x89: {  	[spmem:s4] =	stream.indirect.scatter.add.f32 [tilespmem:s22], [sflag:$0x3], $0x80, s6, s20, $0xb8;
	[tilespmem:$0x1E800] =	vst v63  }
0x8a: {  	_ =	swait.ge [sflag:s18], $0x4000  }
0x8b: {  	s31 =	simm.s32 $0x800;
	s29 =	simm.s32 $0x100;
	[sflag:s18] =	ssyncset.done $0x0  }
.LBB2_7:
0x8c: {  	s0 =	sadd.s32 $0x80, s29  }
0x8d: {  	[sflag:s18] =	ssyncadd.s32 $0xFFFFC000;
	s3 =	smov.u32 s31;
	s6 =	sadd.s32 $0x400, s31  }
0x8e: {  	[tilespmem:s22], [sflag:$0x2] =	stream.indirect.gather [hbm4b:s7+s20], $0x80, s0, s20, $0xb8;
	[tilespmem:$0x1E800] =	vst v63  }
0x8f: {  	p1 =	sne.s32 s31, $0x4800;
	_ =	swait.ge [sflag:s23], $0x4000  }
0x90: {  	[sflag:s23] =	ssyncset.done $0x0  }
0x91: {  	s0 =	sadd.s32 $0x1400, s29;
	[sflag:s23] =	ssyncadd.s32 $0xFFFFC000  }
0x92: {  	[spmem:s4] =	stream.indirect.scatter.add.f32 [tilespmem:s21], [sflag:$0x3], $0x80, s0, s20, $0xb8;
	[tilespmem:$0x1E800] =	vst v63  }
0x93: {  	_ =	swait.ge [sflag:s18], $0x4000  }
0x94: {  	[sflag:s18] =	ssyncset.done $0x0  }
0x95: {  	s0 =	sadd.s32 $0x100, s29;
	[sflag:s18] =	ssyncadd.s32 $0xFFFFC000  }
0x96: {  	[tilespmem:s21], [sflag:$0x1] =	stream.indirect.gather [hbm4b:s7+s20], $0x80, s0, s20, $0xb8;
	[tilespmem:$0x1E800] =	vst v63  }
0x97: {  	_ =	swait.ge [sflag:s24], $0x4000  }
.Ltmp6:
0x98: {  	[sflag:s24] =	ssyncset.done $0x0;
	(pc) =	sbr.rel @p1 .LBB2_7-.Ltmp6, $4  }
0x99: {  	s0 =	sadd.s32 $0x1480, s29;
	[sflag:s24] =	ssyncadd.s32 $0xFFFFC000  }
0x9a: {  	[spmem:s4] =	stream.indirect.scatter.add.f32 [tilespmem:s22], [sflag:$0x3], $0x80, s0, s20, $0xb8;
	[tilespmem:$0x1E800] =	vst v63  }
0x9b: {  	_ =	swait.ge [sflag:s18], $0x4000  }
0x9c: {  	s31 =	smov.u32 s6;
	s29 =	sshra.s32 s3, $0x2;
	[sflag:s18] =	ssyncset.done $0x0  }
0x9d: {  	s0 =	sadd.s32 $0x80, s29;
	[sflag:s18] =	ssyncadd.s32 $0xFFFFC000  }
0x9e: {  	[tilespmem:s22], [sflag:$0x2] =	stream.indirect.gather [hbm4b:s7+s20], $0x80, s0, s20, $0xb8;
	[tilespmem:$0x1E800] =	vst v63  }
0x9f: {  	_ =	swait.ge [sflag:s23], $0x4000  }
0xa0: {  	[sflag:s23] =	ssyncset.done $0x0  }
0xa1: {  	s3 =	sadd.s32 $0x1400, s29;
	[sflag:s23] =	ssyncadd.s32 $0xFFFFC000  }
0xa2: {  	[spmem:s4] =	stream.indirect.scatter.add.f32 [tilespmem:s21], [sflag:$0x3], $0x80, s3, s20, $0xb8;
	[tilespmem:$0x1E800] =	vst v63  }
0xa3: {  	_ =	swait.ge [sflag:s18], $0x4000  }
0xa4: {  	[sflag:s18] =	ssyncset.done $0x0  }
0xa5: {  	s6 =	sadd.s32 $0x100, s29;
	[sflag:s18] =	ssyncadd.s32 $0xFFFFC000  }
0xa6: {  	[tilespmem:s21], [sflag:$0x1] =	stream.indirect.gather [hbm4b:s7+s20], $0x80, s6, s20, $0xb8;
	[tilespmem:$0x1E800] =	vst v63  }
0xa7: {  	_ =	swait.ge [sflag:s24], $0x4000  }
0xa8: {  	[sflag:s24] =	ssyncset.done $0x0  }
0xa9: {  	s31 =	sadd.s32 $0x1480, s29;
	[sflag:s24] =	ssyncadd.s32 $0xFFFFC000  }
0xaa: {  	[spmem:s4] =	stream.indirect.scatter.add.f32 [tilespmem:s22], [sflag:$0x3], $0x80, s31, s20, $0xb8;
	[tilespmem:$0x1E800] =	vst v63  }
0xab: {  	_ =	swait.ge [sflag:s18], $0x4000  }
0xac: {  	[sflag:s18] =	ssyncset.done $0x0  }
0xad: {  	[sflag:s18] =	ssyncadd.s32 $0xFFFFC000  }
0xae: {  	[tilespmem:s22], [sflag:$0x2] =	stream.indirect.gather [hbm4b:s7+s20], $0x80, s25, s20, $0xb8;
	[tilespmem:$0x1E800] =	vst v63  }
0xaf: {  	_ =	swait.ge [sflag:s23], $0x4000  }
0xb0: {  	[sflag:s23] =	ssyncset.done $0x0  }
0xb1: {  	[sflag:s23] =	ssyncadd.s32 $0xFFFFC000  }
0xb2: {  	[spmem:s4] =	stream.indirect.scatter.add.f32 [tilespmem:s21], [sflag:$0x3], $0x80, s26, s20, $0xb8;
	[tilespmem:$0x1E800] =	vst v63  }
0xb3: {  	_ =	swait.ge [sflag:s18], $0x4000  }
0xb4: {  	[sflag:s18] =	ssyncset.done $0x0  }
0xb5: {  	[sflag:s18] =	ssyncadd.s32 $0xFFFFC000  }
0xb6: {  	s30 =	sadd.s32 $0x1, s30;
	_ =	swait.ge [sflag:s24], $0x4000  }
0xb7: {  	p1 =	sne.s32 s30, $0x4;
	[sflag:s24] =	ssyncset.done $0x0  }
.Ltmp7:
0xb8: {  	[sflag:s24] =	ssyncadd.s32 $0xFFFFC000;
	(pc) =	sbr.rel @p1 .LBB2_6-.Ltmp7, $4  }
0xb9: {  	[spmem:s4] =	stream.indirect.scatter.add.f32 [tilespmem:s22], [sflag:$0x3], $0x80, s28, s20, $0xb8;
	[tilespmem:$0x1E800] =	vst v63  }
0xba: {  	_ =	swait.ge [sflag:s18], $0x4000  }
0xbb: {  	[sflag:s18] =	ssyncset.done $0x0  }
0xbc: {  	[sflag:s18] =	ssyncadd.s32 $0xFFFFC000  }
.Ltmp8:
0xbd: {  	(pc) =	sbr.rel .LBB2_10-.Ltmp8, $2  }
0xbe: {  	_ =	sdelay $0x2  }
0xbf: {  	s29 =	smov.u32 s12  }
.LBB2_11:
0xc0: {  	_ =	sfence.sel $0x180000  }
0xc1: {  	[bflag:$0x0] =	sbarrier.arrive $0xFFFF  }
0xc2: {  	_ =	strace $0x90000047  }
0xc3: {  	s0 =	stileid.u32;
	[bflag:$0x2] =	sbarrier.arrive $0xFFFF  }
0xc4: {  	p0 =	sne.s32 s0, $0x0;
	s0 =	rddreg [dreg:$0x5]  }
0xc5: {  	s0 =	sadd.s32 @!p0 $0x100000, s0  }
0xc6: {  	[sflag:s0] =	ssyncadd.tile.s32 @!p0 $0x1;
	_ =	shalt  }
.Lfunc_end2:
_tile_overlayer_lowered:
.L_overlay_start_2:
0xc7: {  	(tag) =	ssettag $0x2  }
0xc8: {  	s0 =	rddreg [dreg:$0x0];
	s2 =	stileid.u32  }
0xc9: {  	s1 =	rddreg [dreg:$0x1];
	p0 =	sne.s32 s2, $0x0  }
0xca: {  	s3 =	rddreg [dreg:$0x2];
	[bflag:$0x3] =	sbarrier.arrive $0xFFFF;
	s2 =	simm.s32 @!p0 $0x1C03  }
0xcb: {  	[timem:s3], [sflag:s2] =	dma.local @!p0 [hbm:s0], s1  }
0xcc: {  	s0 =	simm.s32 @!p0 $0x3  }
0xcd: {  	_ =	swait.ge @!p0 [sflag:s0], s1  }
0xce: {  	s1 =	ssub.s32 @!p0 $0x0, s1;
	[sflag:s0] =	ssyncset.done @!p0 $0x0  }
0xcf: {  	[sflag:s0] =	ssyncadd.s32 @!p0 s1  }
0xd0: {  	[bflag:$0x3] =	sbarrier.arrive $0xFFFF  }
0xd1: {  	_ =	shalt  }

// kernel: kernel.13.cloned.1.call-start
scs
__scs_entry_jumppad:
0x0: {  	(pc) =	sbr.rel $0x88, $3  }
0x1: {  	(tag) =	ssettag $0x0;
	lr =	simm.s32 $0x1  }
0x2: {  	[smem:$0x3F71] =	sst lr;
	_ =	strace $0xD0000000  }
0x3: {  	_ = 	snop  }
0x4: {  	_ = 	snop  }
0x5: {  	_ = 	snop  }
0x6: {  	_ = 	snop  }
0x7: {  	_ = 	snop  }
__scs_overlays_trampoline_lowered:
0x8: {  	[smem:$0x3F80] =	sst s0  }
0x9: {  	[smem:$0x3F81] =	sst s1  }
0xa: {  	[smem:$0x3F82] =	sst s2  }
0xb: {  	[smem:$0x3F83] =	sst s3  }
0xc: {  	[smem:$0x3F84] =	sst s4  }
0xd: {  	[smem:$0x3F85] =	sst s5  }
0xe: {  	[smem:$0x3F86] =	sst s6  }
0xf: {  	[smem:$0x3F87] =	sst s7  }
0x10: {  	[smem:$0x3F88] =	sst s8  }
0x11: {  	[smem:$0x3F89] =	sst s9;
	s0 =	simm.s32 @!p0 $0x0  }
0x12: {  	s1 =	sld [smem:$0x3F6F];
	s0 =	simm.s32 @p0 $0x1  }
0x13: {  	[smem:$0x3F8A] =	sst s0;
	s0 =	simm.s32 @!p1 $0x0  }
0x14: {  	s2 =	sld [smem:$0x3F6E];
	s0 =	simm.s32 @p1 $0x1  }
0x15: {  	[smem:$0x3F8B] =	sst s0;
	s0 =	simm.s32 @!p2 $0x0  }
0x16: {  	s3 =	sld [smem:$0x3FDB];
	s0 =	simm.s32 @p2 $0x1  }
0x17: {  	s4 =	simm.s32 $0x1BF5;
	[smem:$0x3F8D] =	sst s0  }
0x18: {  	s0 =	sld [smem:$0x3F70];
	_ =	swait.ge [sflag:s4], $0x0  }
0x19: {  	s7 =	sld [smem:$0x3F71]  }
0x1a: {  	s8 =	sadd.s32 $0xFFFFE003, lr  }
0x1b: {  	s9 =	sadd.s32 $0xFFFFFEF7, lr;
	s5 =	simm.s32 $0xFFFFFFFF;
	p2 =	slt.u32 s8, $0xFFFFF086  }
0x1c: {  	p1 =	slt.u32 s9, $0xF7A;
	s5 =	simm.s32 @!p2 $0x0  }
0x1d: {  	s5 =	simm.s32 @p1 $0x1;
	p0 =	seq.s32 s7, s2  }
0x1e: {  	s7 =	smul.u32 @!p0 $0xF7A, s2;
	p2 =	seq.s32 @!p0 s5, $0x0  }
0x1f: {  	s9 =	smul.u32 $0xF7A, s1;
	s8 =	simm.s32 @!p0 $0x1BF5;
	p2 =	por !p2, p0  }
0x20: {  	[sflag:s8] =	ssyncset.s32 @!p0 $0xFFFFF086;
	s6 =	sadd.s32 @!p0 s3, s7;
	s7 =	simm.s32 @!p0 $0x108  }
0x21: {  	s3 =	sadd.s32 s3, s9;
	s6 =	sadd.s32 @!p0 $0x88, s6;
	s7 =	simm.s32 @p2 $0x1082  }
0x22: {  	[simem:s7], [sflag:s8] =	dma.local @!p0 [hbm:s6], $0xF7A  }
0x23: {  	s9 =	sor.u32 $0xD0000000, s2;
	s6 =	simm.s32 $0x108;
	_ =	swait.ge @!p0 [sflag:s8], $0x0  }
0x24: {  	s3 =	sadd.s32 $0x88, s3;
	s6 =	simm.s32 @!p1 $0x1082;
	[sflag:s4] =	ssyncset.s32 $0xFFFFF086  }
0x25: {  	[simem:s6], [sflag:s4] =	dma.local [hbm:s3], $0xF7A  }
0x26: {  	[smem:$0x3F71] =	sst s1;
	(tag) =	ssettag s2;
	_ =	strace s9  }
0x27: {  	s1 =	sld [smem:$0x3F81]  }
0x28: {  	s2 =	sld [smem:$0x3F82]  }
0x29: {  	s4 =	sld [smem:$0x3F84]  }
0x2a: {  	p0 =	seq.s32 s5, $0x0;
	s5 =	sld [smem:$0x3F85]  }
0x2b: {  	s6 =	sld [smem:$0x3F86]  }
0x2c: {  	s7 =	sld [smem:$0x3F87]  }
0x2d: {  	s3 =	simm.s32 $0x108;
	s8 =	sld [smem:$0x3F88]  }
0x2e: {  	s3 =	simm.s32 @!p0 $0x1082;
	s9 =	sld [smem:$0x3F89]  }
0x2f: {  	lr =	sadd.s32 s0, s3;
	s0 =	sld [smem:$0x3F80]  }
0x30: {  	s3 =	sld [smem:$0x3F83]  }
0x31: {  	[smem:$0x3F8C] =	sst s10  }
0x32: {  	s10 =	sld [smem:$0x3F8A];
	_ =	sdelay $0x3  }
0x33: {  	p0 =	seq.s32 s10, $0x1;
	s10 =	sld [smem:$0x3F8C];
	_ =	sdelay $0x3  }
0x34: {  	[smem:$0x3F8C] =	sst s10  }
0x35: {  	s10 =	sld [smem:$0x3F8B];
	_ =	sdelay $0x3  }
0x36: {  	p1 =	seq.s32 s10, $0x1;
	s10 =	sld [smem:$0x3F8C];
	_ =	sdelay $0x3  }
0x37: {  	[smem:$0x3F8C] =	sst s10  }
0x38: {  	s10 =	sld [smem:$0x3F8D]  }
0x39: {  	_ = 	snop;
	(pc) =	sbr.ind lr, $3  }
0x3a: {  	_ = 	snop  }
0x3b: {  	_ = 	snop  }
0x3c: {  	p2 =	seq.s32 s10, $0x1;
	s10 =	sld [smem:$0x3F8C]  }
0x3d: {  	_ =	shalt  }
0x3e: {  	_ =	shalt  }
0x3f: {  	_ =	shalt  }
0x40: {  	_ =	shalt  }
0x41: {  	_ =	shalt  }
0x42: {  	_ =	shalt  }
0x43: {  	_ =	shalt  }
0x44: {  	_ =	shalt  }
0x45: {  	_ =	shalt  }
0x46: {  	_ =	shalt  }
0x47: {  	_ =	shalt  }
0x48: {  	_ =	shalt  }
0x49: {  	_ =	shalt  }
0x4a: {  	_ =	shalt  }
0x4b: {  	_ =	shalt  }
0x4c: {  	_ =	shalt  }
0x4d: {  	_ =	shalt  }
0x4e: {  	_ =	shalt  }
0x4f: {  	_ =	shalt  }
0x50: {  	_ =	shalt  }
0x51: {  	_ =	shalt  }
0x52: {  	_ =	shalt  }
0x53: {  	_ =	shalt  }
0x54: {  	_ =	shalt  }
0x55: {  	_ =	shalt  }
0x56: {  	_ =	shalt  }
0x57: {  	_ =	shalt  }
0x58: {  	_ =	shalt  }
0x59: {  	_ =	shalt  }
0x5a: {  	_ =	shalt  }
0x5b: {  	_ =	shalt  }
0x5c: {  	_ =	shalt  }
0x5d: {  	_ =	shalt  }
0x5e: {  	_ =	shalt  }
0x5f: {  	_ =	shalt  }
0x60: {  	_ =	shalt  }
0x61: {  	_ =	shalt  }
0x62: {  	_ =	shalt  }
0x63: {  	_ =	shalt  }
0x64: {  	_ =	shalt  }
0x65: {  	_ =	shalt  }
0x66: {  	_ =	shalt  }
0x67: {  	_ =	shalt  }
0x68: {  	_ =	shalt  }
0x69: {  	_ =	shalt  }
0x6a: {  	_ =	shalt  }
0x6b: {  	_ =	shalt  }
0x6c: {  	_ =	shalt  }
0x6d: {  	_ =	shalt  }
0x6e: {  	_ =	shalt  }
0x6f: {  	_ =	shalt  }
0x70: {  	_ =	shalt  }
0x71: {  	_ =	shalt  }
0x72: {  	_ =	shalt  }
0x73: {  	_ =	shalt  }
0x74: {  	_ =	shalt  }
0x75: {  	_ =	shalt  }
0x76: {  	_ =	shalt  }
0x77: {  	_ =	shalt  }
0x78: {  	_ =	shalt  }
0x79: {  	_ =	shalt  }
0x7a: {  	_ =	shalt  }
0x7b: {  	_ =	shalt  }
0x7c: {  	_ =	shalt  }
0x7d: {  	_ =	shalt  }
0x7e: {  	_ =	shalt  }
0x7f: {  	_ =	shalt  }
0x80: {  	_ =	shalt  }
0x81: {  	_ =	shalt  }
0x82: {  	_ =	shalt  }
0x83: {  	_ =	shalt  }
0x84: {  	_ =	shalt  }
0x85: {  	_ =	shalt  }
0x86: {  	_ =	shalt  }
0x87: {  	_ =	shalt  }
.Lfunc_end0:
.L_simem_size_0:
called_computation.1_lowered:
.L_overlay_start_0:
0x88: {  	s2 =	sld [smem:$0x3FD9]  }
0x89: {  	s3 =	sld [smem:$0x3FFE];
	_ =	sdelay $0x1  }
0x8a: {  	s1 =	srdreg.scid  }
0x8b: {  	s0 =	sand.u32 $0x1, s1  }
0x8c: {  	s14 =	sshll.u32 s0, $0xA;
	s2 =	sadd.s32 s3, s2  }
0x8d: {  	s2 =	sadd.s32 s2, s14  }
0x8e: {  	[smem:$0x3F98] =	sst s2  }
0x8f: {  	_ = 	snop  }
0x90: {  	s2 =	sld [smem:$0x3FD0];
	_ =	sdelay $0x2  }
0x91: {  	s15 =	simm.s32 $0xA;
	s4 =	simm.s32 $0x10  }
0x92: {  	[smem:s4], [sflag:s15] =	dma.local [hbm:s2], $0x1  }
0x93: {  	_ =	swait.eq [sflag:s15], $0x1  }
0x94: {  	s16 =	sld [smem:$0x11];
	[sflag:s15] =	ssyncset.done $0x0  }
0x95: {  	s17 =	sld [smem:$0x12];
	[sflag:s15] =	ssyncadd.s32 $0xFFFFFFFF  }
0x96: {  	s18 =	sld [smem:$0x13];
	(tm) =	ssettm $0x1  }
0x97: {  	s5 =	sld [smem:$0x3FFB];
	_ =	sdelay $0x3  }
0x98: {  	_ =	strace s5  }
0x99: {  	s5 =	sld [smem:$0x3FFC];
	_ =	sdelay $0x3  }
0x9a: {  	_ =	strace s5  }
0x9b: {  	s5 =	sld [smem:$0x3FFD];
	_ =	sdelay $0x3  }
0x9c: {  	_ =	strace s5  }
0x9d: {  	_ =	strace $0x8FFFFFFF  }
0x9e: {  	s19 =	sld [smem:$0x3FDB];
	_ =	sdelay $0x1  }
0x9f: {  	s6 =	simm.s32 $_scs_section_size  }
0xa0: {  	s7 =	simm.s32 $_size__tile_overlayer_lowered;
	s8 =	simm.s32 $_tile_overlayer_lowered  }
0xa1: {  	s22 =	simm.s32 $0x1BFF;
	s21 =	sshll.u32 s8, $0x1;
	s5 =	sadd.s32 s6, s19  }
0xa2: {  	s9 =	simm.s32 $0x0;
	s20 =	sshll.u32 s7, $0x1;
	s7 =	sadd.s32 s21, s5  }
0xa3: {  	[timem:s9], [sflag:s22] =	dma.local [hbm:s7], s20  }
0xa4: {  	_ =	swait.ge [sflag:s22], s20  }
0xa5: {  	s6 =	ssub.s32 $0x0, s20;
	[sflag:s22] =	ssyncset.done $0x0  }
0xa6: {  	[sflag:s22] =	ssyncadd.s32 s6;
	_ =	sdelay $0x1  }
0xa7: {  	s23 =	simm.s32 $0x1B8B  }
0xa8: {  	_ =	swait.ge [sflag:s23], $0x1  }
0xa9: {  	[sflag:s23] =	ssyncset.done $0x0  }
0xaa: {  	s25 =	simm.s32 $0x1B8E;
	s24 =	sld [smem:$0x3FFE];
	[sflag:s23] =	ssyncadd.s32 $0xFFFFFFFF  }
0xab: {  	s26 =	simm.s32 $execute0_lowered;
	[smem:$0x3FD2] =	sst s25  }
0xac: {  	s7 =	sshll.u32 s26, $0x1;
	_ =	strace $0x80000049;
	[dreg:$0x1] =	wrdreg $0xFFFFFFFF  }
0xad: {  	s28 =	simm.s32 $_size_execute0_lowered;
	s5 =	sadd.s32 s5, s7;
	[dreg:$0x0] =	wrdreg $0x0  }
0xae: {  	s7 =	sshll.u32 s28, $0x1;
	[dreg:$0x2] =	wrdreg s5  }
0xaf: {  	[dreg:$0x3] =	wrdreg s7  }
0xb0: {  	[dreg:$0x4] =	wrdreg $0xC0  }
0xb1: {  	_ =	task [dreg:s9], $0x5FFFF  }
0xb2: {  	[dreg:$0x1] =	wrdreg $0xFFFFFFFF  }
0xb3: {  	[dreg:$0x0] =	wrdreg $0x60  }
0xb4: {  	[dreg:$0x2] =	wrdreg s18  }
0xb5: {  	[dreg:$0x3] =	wrdreg s24  }
0xb6: {  	[dreg:$0x4] =	wrdreg s16  }
0xb7: {  	[dreg:$0x5] =	wrdreg s17  }
0xb8: {  	[dreg:$0x6] =	wrdreg $0xA8000  }
0xb9: {  	[dreg:$0x7] =	wrdreg $0x9  }
0xba: {  	_ =	task.clear_ibuf [dreg:s9], $0x8FFFF;
	_ =	strace $0x90000049  }
0xbb: {  	s29 =	simm.s32 $0x9;
	_ =	strace $0x8000004B  }
0xbc: {  	_ =	swait.ge [sflag:s29], $0x1  }
0xbd: {  	[sflag:s29] =	ssyncadd.s32 $0xFFFFFFFF  }
0xbe: {  	_ =	strace $0x9000004B  }
0xbf: {  	_ =	sfence  }
0xc0: {  	s30 =	sld [smem:$0x0];
	_ =	sdelay $0x2  }
0xc1: {  	s31 =	sshll.u32 s1, $0xD;
	s1 =	sshrl.u32 s1, $0x2  }
0xc2: {  	s3 =	sand.u32 $0x4000, s31;
	s1 =	sadd.s32 s1, s30  }
0xc3: {  	s0 =	sor.u32 s3, s0;
	s1 =	sshll.u32 s1, $0x11  }
0xc4: {  	s0 =	sor.u32 s1, s0  }
0xc5: {  	s0 =	sadd.s32 $0x8F2B, s0  }
0xc6: {  	[sflag:s0] =	ssyncadd.remote.s32 $0x1  }
0xc7: {  	_ =	sfence.sel $0xFFFF  }
0xc8: {  	[dreg:$0x0] =	wrdreg $0xFFFFFFFF;
	(pc) =	sbr.abs _section_cstart, $3  }
0xc9: {  	[dreg:$0x1] =	wrdreg $0xFFFFFFFF  }
0xca: {  	_ =	task.clear_ibuf [dreg:s9], $0x2FFFF;
	_ =	strace $0x9FFFFFFF  }
0xcb: {  	(tm) =	ssettm $0x7FFFFFFF  }
tec
execute0_lowered:
.L_overlay_start_1:
0x0: {  	(tag) =	ssettag $0x1  }
0x1: {  	s1 =	rddreg [dreg:$0x0]  }
0x2: {  	s12 =	rddreg [dreg:$0x1]  }
0x3: {  	s2 =	rddreg [dreg:$0x2]  }
0x4: {  	s4 =	rddreg [dreg:$0x4]  }
0x5: {  	s5 =	simm.s32 $0x0;
	s9 =	srdreg.scid;
	s0 =	stileid.u32  }
0x6: {  	s19 =	simm.s32 $0x1400;
	s20 =	simm.s32 $0x80;
	s21 =	simm.s32 $0x2800  }
0x7: {  	s22 =	simm.s32 $0x6800;
	s23 =	simm.s32 $0x1;
	s24 =	simm.s32 $0x2  }
0x8: {  	s25 =	simm.s32 $0x1380;
	s26 =	simm.s32 $0x2700;
	s28 =	simm.s32 $0x2780  }
0x9: {  	[smem:$0x7FF] =	sst s5;
	s7 =	sadd.s32 $0x25A00, s12;
	s8 =	sadd.s32 $0x7A00, s12  }
0xa: {  	s17 =	sand.u32 $0x1, s9;
	s9 =	sadd.s32 $0x1BA00, s12;
	s14 =	smul.u32 $0x50000, s0  }
0xb: {  	s10 =	sadd.s32 $0x11A00, s12;
	s11 =	sadd.s32 $0x4CC00, s12;
	s12 =	sadd.s32 $0x4F400, s12  }
.Ltmp0:
0xc: {  	s31 =	sshll.u32 s0, $0x6;
	s13 =	ssub.s32 $0x2, s17;
	(pc) =	sbr.rel .LBB2_1-.Ltmp0, $4  }
0xd: {  	_ =	strace $0x8000004A;
	p0 =	sne.s32 s17, $0x0;
	s15 =	sshrl.u32 s13, $0x1  }
0xe: {  	s30 =	sshrl.u32 s14, $0x2;
	s16 =	ssub.s32 s13, s15;
	s13 =	smul.u32 $0x5000, s0  }
0xf: {  	s14 =	sor.u32 $0x1C03, s31;
	s18 =	sadd.s32 s30, s4;
	s15 =	smul.u32 $0x2800, s0  }
0x10: {  	s16 =	smax.u32 s16, $0x1;
	s17 =	sshrl.u32 s18, $0x3;
	s18 =	simm.s32 $0x3  }
.LBB2_10:
0x11: {  	s5 =	sadd.s32 $0x1, s5  }
0x12: {  	p1 =	sne.s32 s5, s16  }
.Ltmp1:
0x13: {  	s0 =	sadd.s32 s29, s15;
	[bflag:$0x0] =	sbarrier.arrive $0xFFFF;
	(pc) =	sbr.rel @!p1 .LBB2_11-.Ltmp1, $4  }
0x14: {  	[hbm:s0], [sflag:s14] =	dma.local [spmem:s17], $0x2800  }
0x15: {  	_ =	swait.ge [sflag:s18], $0x2800  }
0x16: {  	[sflag:s18] =	ssyncset.done $0x0  }
0x17: {  	[sflag:s18] =	ssyncadd.s32 $0xFFFFD800  }
.LBB2_1:
0x18: {  	[spmem:s17], [sflag:s14] =	dma.local [hbm:s11], $0x2800  }
.Ltmp2:
0x19: {  	_ =	swait.ge [sflag:s18], $0x2800;
	(pc) =	sbr.rel @p0 .LBB2_6-.Ltmp2, $4  }
0x1a: {  	[sflag:s18] =	ssyncset.done $0x0  }
0x1b: {  	[sflag:s18] =	ssyncadd.s32 $0xFFFFD800  }
0x1c: {  	[bflag:$0x0] =	sbarrier.arrive $0xFFFF  }
0x1d: {  	s29 =	simm.s32 $0x0;
	s30 =	simm.s32 $0x0  }
.LBB2_2:
0x1e: {  	s30 =	smul.u32 $0x1400, s29;
	_ =	sdelay $0x1  }
0x1f: {  	s30 =	sadd.s32 s13, s30  }
0x20: {  	s30 =	sshrl.u32 s30, $0x3  }
0x21: {  	s0 =	simm.s32 $0x0;
	s31 =	sadd.s32 s2, s30  }
0x22: {  	[tilespmem:s0], [sflag:$0x3] =	stream.linear.gather [hbm4b:s31+s0], $0x1400, $0x38;
	[tilespmem:$0x1E800] =	vst v63  }
0x23: {  	_ =	swait.ge [sflag:s18], $0x1400  }
0x24: {  	[sflag:s18] =	ssyncset.done $0x0  }
0x25: {  	s30 =	sadd.s32 s8, s30;
	[sflag:s18] =	ssyncadd.s32 $0xFFFFEC00  }
0x26: {  	[tilespmem:s19], [sflag:$0x3] =	stream.linear.gather [hbm4b:s30+s0], $0x1400, $0x38;
	[tilespmem:$0x1E800] =	vst v63  }
0x27: {  	_ =	swait.ge [sflag:s18], $0x1400  }
0x28: {  	[sflag:s18] =	ssyncset.done $0x0  }
0x29: {  	[sflag:s18] =	ssyncadd.s32 $0xFFFFEC00  }
0x2a: {  	[tilespmem:s21], [sflag:$0x1] =	stream.indirect.gather [hbm4b:s1+s20], $0x80, s0, s20, $0xb8;
	[tilespmem:$0x1E800] =	vst v63  }
0x2b: {  	s3 =	simm.s32 $0x80  }
0x2c: {  	[tilespmem:s22], [sflag:$0x2] =	stream.indirect.gather [hbm4b:s1+s20], $0x80, s3, s20, $0xb8;
	[tilespmem:$0x1E800] =	vst v63  }
0x2d: {  	_ =	swait.ge [sflag:s23], $0x4000  }
0x2e: {  	[sflag:s23] =	ssyncset.done $0x0  }
0x2f: {  	s6 =	simm.s32 $0x1400;
	[sflag:s23] =	ssyncadd.s32 $0xFFFFC000  }
0x30: {  	[spmem:s4] =	stream.indirect.scatter.add.f32 [tilespmem:s21], [sflag:$0x3], $0x80, s6, s20, $0xb8;
	[tilespmem:$0x1E800] =	vst v63  }
0x31: {  	_ =	swait.ge [sflag:s18], $0x4000  }
0x32: {  	[sflag:s18] =	ssyncset.done $0x0  }
0x33: {  	s3 =	simm.s32 $0x100;
	[sflag:s18] =	ssyncadd.s32 $0xFFFFC000  }
0x34: {  	[tilespmem:s21], [sflag:$0x1] =	stream.indirect.gather [hbm4b:s1+s20], $0x80, s3, s20, $0xb8;
	[tilespmem:$0x1E800] =	vst v63  }
0x35: {  	_ =	swait.ge [sflag:s24], $0x4000  }
0x36: {  	[sflag:s24] =	ssyncset.done $0x0  }
0x37: {  	s6 =	simm.s32 $0x1480;
	[sflag:s24] =	ssyncadd.s32 $0xFFFFC000  }
0x38: {  	[spmem:s4] =	stream.indirect.scatter.add.f32 [tilespmem:s22], [sflag:$0x3], $0x80, s6, s20, $0xb8;
	[tilespmem:$0x1E800] =	vst v63  }
0x39: {  	_ =	swait.ge [sflag:s18], $0x4000  }
0x3a: {  	s31 =	simm.s32 $0x800;
	s30 =	simm.s32 $0x100;
	[sflag:s18] =	ssyncset.done $0x0  }
.LBB2_3:
0x3b: {  	s0 =	sadd.s32 $0x80, s30  }
0x3c: {  	[sflag:s18] =	ssyncadd.s32 $0xFFFFC000;
	s6 =	smov.u32 s31;
	s3 =	sadd.s32 $0x400, s31  }
0x3d: {  	[tilespmem:s22], [sflag:$0x2] =	stream.indirect.gather [hbm4b:s1+s20], $0x80, s0, s20, $0xb8;
	[tilespmem:$0x1E800] =	vst v63  }
0x3e: {  	p1 =	sne.s32 s31, $0x4800;
	_ =	swait.ge [sflag:s23], $0x4000  }
0x3f: {  	[sflag:s23] =	ssyncset.done $0x0  }
0x40: {  	s0 =	sadd.s32 $0x1400, s30;
	[sflag:s23] =	ssyncadd.s32 $0xFFFFC000  }
0x41: {  	[spmem:s4] =	stream.indirect.scatter.add.f32 [tilespmem:s21], [sflag:$0x3], $0x80, s0, s20, $0xb8;
	[tilespmem:$0x1E800] =	vst v63  }
0x42: {  	_ =	swait.ge [sflag:s18], $0x4000  }
0x43: {  	[sflag:s18] =	ssyncset.done $0x0  }
0x44: {  	s0 =	sadd.s32 $0x100, s30;
	[sflag:s18] =	ssyncadd.s32 $0xFFFFC000  }
0x45: {  	[tilespmem:s21], [sflag:$0x1] =	stream.indirect.gather [hbm4b:s1+s20], $0x80, s0, s20, $0xb8;
	[tilespmem:$0x1E800] =	vst v63  }
0x46: {  	_ =	swait.ge [sflag:s24], $0x4000  }
.Ltmp3:
0x47: {  	[sflag:s24] =	ssyncset.done $0x0;
	(pc) =	sbr.rel @p1 .LBB2_3-.Ltmp3, $4  }
0x48: {  	s0 =	sadd.s32 $0x1480, s30;
	[sflag:s24] =	ssyncadd.s32 $0xFFFFC000  }
0x49: {  	[spmem:s4] =	stream.indirect.scatter.add.f32 [tilespmem:s22], [sflag:$0x3], $0x80, s0, s20, $0xb8;
	[tilespmem:$0x1E800] =	vst v63  }
0x4a: {  	_ =	swait.ge [sflag:s18], $0x4000  }
0x4b: {  	s31 =	smov.u32 s3;
	s30 =	sshra.s32 s6, $0x2;
	[sflag:s18] =	ssyncset.done $0x0  }
0x4c: {  	s0 =	sadd.s32 $0x80, s30;
	[sflag:s18] =	ssyncadd.s32 $0xFFFFC000  }
0x4d: {  	[tilespmem:s22], [sflag:$0x2] =	stream.indirect.gather [hbm4b:s1+s20], $0x80, s0, s20, $0xb8;
	[tilespmem:$0x1E800] =	vst v63  }
0x4e: {  	_ =	swait.ge [sflag:s23], $0x4000  }
0x4f: {  	[sflag:s23] =	ssyncset.done $0x0  }
0x50: {  	s3 =	sadd.s32 $0x1400, s30;
	[sflag:s23] =	ssyncadd.s32 $0xFFFFC000  }
0x51: {  	[spmem:s4] =	stream.indirect.scatter.add.f32 [tilespmem:s21], [sflag:$0x3], $0x80, s3, s20, $0xb8;
	[tilespmem:$0x1E800] =	vst v63  }
0x52: {  	_ =	swait.ge [sflag:s18], $0x4000  }
0x53: {  	[sflag:s18] =	ssyncset.done $0x0  }
0x54: {  	s6 =	sadd.s32 $0x100, s30;
	[sflag:s18] =	ssyncadd.s32 $0xFFFFC000  }
0x55: {  	[tilespmem:s21], [sflag:$0x1] =	stream.indirect.gather [hbm4b:s1+s20], $0x80, s6, s20, $0xb8;
	[tilespmem:$0x1E800] =	vst v63  }
0x56: {  	_ =	swait.ge [sflag:s24], $0x4000  }
0x57: {  	[sflag:s24] =	ssyncset.done $0x0  }
0x58: {  	s31 =	sadd.s32 $0x1480, s30;
	[sflag:s24] =	ssyncadd.s32 $0xFFFFC000  }
0x59: {  	[spmem:s4] =	stream.indirect.scatter.add.f32 [tilespmem:s22], [sflag:$0x3], $0x80, s31, s20, $0xb8;
	[tilespmem:$0x1E800] =	vst v63  }
0x5a: {  	_ =	swait.ge [sflag:s18], $0x4000  }
0x5b: {  	[sflag:s18] =	ssyncset.done $0x0  }
0x5c: {  	[sflag:s18] =	ssyncadd.s32 $0xFFFFC000  }
0x5d: {  	[tilespmem:s22], [sflag:$0x2] =	stream.indirect.gather [hbm4b:s1+s20], $0x80, s25, s20, $0xb8;
	[tilespmem:$0x1E800] =	vst v63  }
0x5e: {  	_ =	swait.ge [sflag:s23], $0x4000  }
0x5f: {  	[sflag:s23] =	ssyncset.done $0x0  }
0x60: {  	[sflag:s23] =	ssyncadd.s32 $0xFFFFC000  }
0x61: {  	[spmem:s4] =	stream.indirect.scatter.add.f32 [tilespmem:s21], [sflag:$0x3], $0x80, s26, s20, $0xb8;
	[tilespmem:$0x1E800] =	vst v63  }
0x62: {  	_ =	swait.ge [sflag:s18], $0x4000  }
0x63: {  	[sflag:s18] =	ssyncset.done $0x0  }
0x64: {  	[sflag:s18] =	ssyncadd.s32 $0xFFFFC000  }
0x65: {  	s29 =	sadd.s32 $0x1, s29;
	_ =	swait.ge [sflag:s24], $0x4000  }
0x66: {  	p1 =	seq.s32 s29, $0x4;
	[sflag:s24] =	ssyncset.done $0x0  }
.Ltmp4:
0x67: {  	[sflag:s24] =	ssyncadd.s32 $0xFFFFC000;
	(pc) =	sbr.rel @!p1 .LBB2_2-.Ltmp4, $4  }
0x68: {  	[spmem:s4] =	stream.indirect.scatter.add.f32 [tilespmem:s22], [sflag:$0x3], $0x80, s28, s20, $0xb8;
	[tilespmem:$0x1E800] =	vst v63  }
0x69: {  	_ =	swait.ge [sflag:s18], $0x4000  }
0x6a: {  	[sflag:s18] =	ssyncset.done $0x0  }
0x6b: {  	[sflag:s18] =	ssyncadd.s32 $0xFFFFC000  }
.Ltmp5:
0x6c: {  	(pc) =	sbr.rel .LBB2_10-.Ltmp5, $2  }
0x6d: {  	_ =	sdelay $0x2  }
0x6e: {  	s29 =	rddreg [dreg:$0x3]  }
.LBB2_6:
0x6f: {  	s0 =	smul.u32 $0x1400, s30;
	_ =	sdelay $0x1  }
0x70: {  	s0 =	sadd.s32 s13, s0  }
0x71: {  	s0 =	sshrl.u32 s0, $0x3  }
0x72: {  	s6 =	simm.s32 $0x0;
	s3 =	sadd.s32 s9, s0  }
0x73: {  	[tilespmem:s6], [sflag:$0x3] =	stream.linear.gather [hbm4b:s3+s6], $0x1400, $0x38;
	[tilespmem:$0x1E800] =	vst v63  }
0x74: {  	_ =	swait.ge [sflag:s18], $0x1400  }
0x75: {  	[sflag:s18] =	ssyncset.done $0x0  }
0x76: {  	s0 =	sadd.s32 s10, s0;
	[sflag:s18] =	ssyncadd.s32 $0xFFFFEC00  }
0x77: {  	[tilespmem:s19], [sflag:$0x3] =	stream.linear.gather [hbm4b:s0+s6], $0x1400, $0x38;
	[tilespmem:$0x1E800] =	vst v63  }
0x78: {  	_ =	swait.ge [sflag:s18], $0x1400  }
0x79: {  	[sflag:s18] =	ssyncset.done $0x0  }
0x7a: {  	[sflag:s18] =	ssyncadd.s32 $0xFFFFEC00  }
0x7b: {  	[tilespmem:s21], [sflag:$0x1] =	stream.indirect.gather [hbm4b:s7+s20], $0x80, s6, s20, $0xb8;
	[tilespmem:$0x1E800] =	vst v63  }
0x7c: {  	s3 =	simm.s32 $0x80  }
0x7d: {  	[tilespmem:s22], [sflag:$0x2] =	stream.indirect.gather [hbm4b:s7+s20], $0x80, s3, s20, $0xb8;
	[tilespmem:$0x1E800] =	vst v63  }
0x7e: {  	_ =	swait.ge [sflag:s23], $0x4000  }
0x7f: {  	[sflag:s23] =	ssyncset.done $0x0  }
0x80: {  	s6 =	simm.s32 $0x1400;
	[sflag:s23] =	ssyncadd.s32 $0xFFFFC000  }
0x81: {  	[spmem:s4] =	stream.indirect.scatter.add.f32 [tilespmem:s21], [sflag:$0x3], $0x80, s6, s20, $0xb8;
	[tilespmem:$0x1E800] =	vst v63  }
0x82: {  	_ =	swait.ge [sflag:s18], $0x4000  }
0x83: {  	[sflag:s18] =	ssyncset.done $0x0  }
0x84: {  	s3 =	simm.s32 $0x100;
	[sflag:s18] =	ssyncadd.s32 $0xFFFFC000  }
0x85: {  	[tilespmem:s21], [sflag:$0x1] =	stream.indirect.gather [hbm4b:s7+s20], $0x80, s3, s20, $0xb8;
	[tilespmem:$0x1E800] =	vst v63  }
0x86: {  	_ =	swait.ge [sflag:s24], $0x4000  }
0x87: {  	[sflag:s24] =	ssyncset.done $0x0  }
0x88: {  	s6 =	simm.s32 $0x1480;
	[sflag:s24] =	ssyncadd.s32 $0xFFFFC000  }
0x89: {  	[spmem:s4] =	stream.indirect.scatter.add.f32 [tilespmem:s22], [sflag:$0x3], $0x80, s6, s20, $0xb8;
	[tilespmem:$0x1E800] =	vst v63  }
0x8a: {  	_ =	swait.ge [sflag:s18], $0x4000  }
0x8b: {  	s31 =	simm.s32 $0x800;
	s29 =	simm.s32 $0x100;
	[sflag:s18] =	ssyncset.done $0x0  }
.LBB2_7:
0x8c: {  	s0 =	sadd.s32 $0x80, s29  }
0x8d: {  	[sflag:s18] =	ssyncadd.s32 $0xFFFFC000;
	s3 =	smov.u32 s31;
	s6 =	sadd.s32 $0x400, s31  }
0x8e: {  	[tilespmem:s22], [sflag:$0x2] =	stream.indirect.gather [hbm4b:s7+s20], $0x80, s0, s20, $0xb8;
	[tilespmem:$0x1E800] =	vst v63  }
0x8f: {  	p1 =	sne.s32 s31, $0x4800;
	_ =	swait.ge [sflag:s23], $0x4000  }
0x90: {  	[sflag:s23] =	ssyncset.done $0x0  }
0x91: {  	s0 =	sadd.s32 $0x1400, s29;
	[sflag:s23] =	ssyncadd.s32 $0xFFFFC000  }
0x92: {  	[spmem:s4] =	stream.indirect.scatter.add.f32 [tilespmem:s21], [sflag:$0x3], $0x80, s0, s20, $0xb8;
	[tilespmem:$0x1E800] =	vst v63  }
0x93: {  	_ =	swait.ge [sflag:s18], $0x4000  }
0x94: {  	[sflag:s18] =	ssyncset.done $0x0  }
0x95: {  	s0 =	sadd.s32 $0x100, s29;
	[sflag:s18] =	ssyncadd.s32 $0xFFFFC000  }
0x96: {  	[tilespmem:s21], [sflag:$0x1] =	stream.indirect.gather [hbm4b:s7+s20], $0x80, s0, s20, $0xb8;
	[tilespmem:$0x1E800] =	vst v63  }
0x97: {  	_ =	swait.ge [sflag:s24], $0x4000  }
.Ltmp6:
0x98: {  	[sflag:s24] =	ssyncset.done $0x0;
	(pc) =	sbr.rel @p1 .LBB2_7-.Ltmp6, $4  }
0x99: {  	s0 =	sadd.s32 $0x1480, s29;
	[sflag:s24] =	ssyncadd.s32 $0xFFFFC000  }
0x9a: {  	[spmem:s4] =	stream.indirect.scatter.add.f32 [tilespmem:s22], [sflag:$0x3], $0x80, s0, s20, $0xb8;
	[tilespmem:$0x1E800] =	vst v63  }
0x9b: {  	_ =	swait.ge [sflag:s18], $0x4000  }
0x9c: {  	s31 =	smov.u32 s6;
	s29 =	sshra.s32 s3, $0x2;
	[sflag:s18] =	ssyncset.done $0x0  }
0x9d: {  	s0 =	sadd.s32 $0x80, s29;
	[sflag:s18] =	ssyncadd.s32 $0xFFFFC000  }
0x9e: {  	[tilespmem:s22], [sflag:$0x2] =	stream.indirect.gather [hbm4b:s7+s20], $0x80, s0, s20, $0xb8;
	[tilespmem:$0x1E800] =	vst v63  }
0x9f: {  	_ =	swait.ge [sflag:s23], $0x4000  }
0xa0: {  	[sflag:s23] =	ssyncset.done $0x0  }
0xa1: {  	s3 =	sadd.s32 $0x1400, s29;
	[sflag:s23] =	ssyncadd.s32 $0xFFFFC000  }
0xa2: {  	[spmem:s4] =	stream.indirect.scatter.add.f32 [tilespmem:s21], [sflag:$0x3], $0x80, s3, s20, $0xb8;
	[tilespmem:$0x1E800] =	vst v63  }
0xa3: {  	_ =	swait.ge [sflag:s18], $0x4000  }
0xa4: {  	[sflag:s18] =	ssyncset.done $0x0  }
0xa5: {  	s6 =	sadd.s32 $0x100, s29;
	[sflag:s18] =	ssyncadd.s32 $0xFFFFC000  }
0xa6: {  	[tilespmem:s21], [sflag:$0x1] =	stream.indirect.gather [hbm4b:s7+s20], $0x80, s6, s20, $0xb8;
	[tilespmem:$0x1E800] =	vst v63  }
0xa7: {  	_ =	swait.ge [sflag:s24], $0x4000  }
0xa8: {  	[sflag:s24] =	ssyncset.done $0x0  }
0xa9: {  	s31 =	sadd.s32 $0x1480, s29;
	[sflag:s24] =	ssyncadd.s32 $0xFFFFC000  }
0xaa: {  	[spmem:s4] =	stream.indirect.scatter.add.f32 [tilespmem:s22], [sflag:$0x3], $0x80, s31, s20, $0xb8;
	[tilespmem:$0x1E800] =	vst v63  }
0xab: {  	_ =	swait.ge [sflag:s18], $0x4000  }
0xac: {  	[sflag:s18] =	ssyncset.done $0x0  }
0xad: {  	[sflag:s18] =	ssyncadd.s32 $0xFFFFC000  }
0xae: {  	[tilespmem:s22], [sflag:$0x2] =	stream.indirect.gather [hbm4b:s7+s20], $0x80, s25, s20, $0xb8;
	[tilespmem:$0x1E800] =	vst v63  }
0xaf: {  	_ =	swait.ge [sflag:s23], $0x4000  }
0xb0: {  	[sflag:s23] =	ssyncset.done $0x0  }
0xb1: {  	[sflag:s23] =	ssyncadd.s32 $0xFFFFC000  }
0xb2: {  	[spmem:s4] =	stream.indirect.scatter.add.f32 [tilespmem:s21], [sflag:$0x3], $0x80, s26, s20, $0xb8;
	[tilespmem:$0x1E800] =	vst v63  }
0xb3: {  	_ =	swait.ge [sflag:s18], $0x4000  }
0xb4: {  	[sflag:s18] =	ssyncset.done $0x0  }
0xb5: {  	[sflag:s18] =	ssyncadd.s32 $0xFFFFC000  }
0xb6: {  	s30 =	sadd.s32 $0x1, s30;
	_ =	swait.ge [sflag:s24], $0x4000  }
0xb7: {  	p1 =	sne.s32 s30, $0x4;
	[sflag:s24] =	ssyncset.done $0x0  }
.Ltmp7:
0xb8: {  	[sflag:s24] =	ssyncadd.s32 $0xFFFFC000;
	(pc) =	sbr.rel @p1 .LBB2_6-.Ltmp7, $4  }
0xb9: {  	[spmem:s4] =	stream.indirect.scatter.add.f32 [tilespmem:s22], [sflag:$0x3], $0x80, s28, s20, $0xb8;
	[tilespmem:$0x1E800] =	vst v63  }
0xba: {  	_ =	swait.ge [sflag:s18], $0x4000  }
0xbb: {  	[sflag:s18] =	ssyncset.done $0x0  }
0xbc: {  	[sflag:s18] =	ssyncadd.s32 $0xFFFFC000  }
.Ltmp8:
0xbd: {  	(pc) =	sbr.rel .LBB2_10-.Ltmp8, $2  }
0xbe: {  	_ =	sdelay $0x2  }
0xbf: {  	s29 =	smov.u32 s12  }
.LBB2_11:
0xc0: {  	_ =	sfence.sel $0x180000  }
0xc1: {  	[bflag:$0x0] =	sbarrier.arrive $0xFFFF  }
0xc2: {  	_ =	strace $0x9000004A  }
0xc3: {  	s0 =	stileid.u32;
	[bflag:$0x2] =	sbarrier.arrive $0xFFFF  }
0xc4: {  	p0 =	sne.s32 s0, $0x0;
	s0 =	rddreg [dreg:$0x5]  }
0xc5: {  	s0 =	sadd.s32 @!p0 $0x100000, s0  }
0xc6: {  	[sflag:s0] =	ssyncadd.tile.s32 @!p0 $0x1;
	_ =	shalt  }
.Lfunc_end2:
_tile_overlayer_lowered:
.L_overlay_start_2:
0xc7: {  	(tag) =	ssettag $0x2  }
0xc8: {  	s0 =	rddreg [dreg:$0x0];
	s2 =	stileid.u32  }
0xc9: {  	s1 =	rddreg [dreg:$0x1];
	p0 =	sne.s32 s2, $0x0  }
0xca: {  	s3 =	rddreg [dreg:$0x2];
	[bflag:$0x3] =	sbarrier.arrive $0xFFFF;
	s2 =	simm.s32 @!p0 $0x1C03  }
0xcb: {  	[timem:s3], [sflag:s2] =	dma.local @!p0 [hbm:s0], s1  }
0xcc: {  	s0 =	simm.s32 @!p0 $0x3  }
0xcd: {  	_ =	swait.ge @!p0 [sflag:s0], s1  }
0xce: {  	s1 =	ssub.s32 @!p0 $0x0, s1;
	[sflag:s0] =	ssyncset.done @!p0 $0x0  }
0xcf: {  	[sflag:s0] =	ssyncadd.s32 @!p0 s1  }
0xd0: {  	[bflag:$0x3] =	sbarrier.arrive $0xFFFF  }
0xd1: {  	_ =	shalt  }

</sc_bundles>
